<compile_context>
chip_gen: v7x
topology: tpu7x:2x2x1
jax: 0.10.2.dev20260603
libtpu: 0.0.44.dev20260713+nightly
codegen_flags: <defaults>
</compile_context>

<pallas_src>
import functools

import jax
import jax.numpy as jnp
from jax import lax
from jax.experimental import pallas as pl
from jax.experimental.pallas import tpu as pltpu
from jax.experimental.pallas import tpu_sc as plsc

_B, _NP, _NL, _K = 2, 2000, 48, 32
_N = _NP + _NL
_H = 128
_SCALE = 30.0
_T = 256
_TK = _T * _K
_NW = 32
_CH = 128


def _gelu_bf(x):
    bf16 = jnp.bfloat16
    xb = x.astype(bf16)
    c1 = bf16(0.7978845608028654)
    c2 = bf16(0.044715 * 0.7978845608028654)
    u = xb * xb
    t = jnp.tanh(xb * (c1 + c2 * u))
    h = bf16(0.5) * xb
    return h + h * t


def _ln(x, s, b):
    m = jnp.mean(x, axis=-1, keepdims=True)
    v = jnp.var(x, axis=-1, keepdims=True)
    return (x - m) / jnp.sqrt(v + 1e-5) * s + b


def _make_sc_gather(nrows, nvrows):
    per_w = nrows // _NW
    nch = per_w // _CH
    stg = nvrows // 16
    mesh = plsc.VectorSubcoreMesh(core_axis_name="c", subcore_axis_name="s")

    @functools.partial(
        pl.kernel,
        mesh=mesh,
        out_type=jax.ShapeDtypeStruct((nrows, _H), jnp.float32),
        scratch_types=[
            pltpu.VMEM((per_w,), jnp.int32),
            pltpu.VMEM((_CH, _H), jnp.float32),
            pltpu.VMEM((_CH, _H), jnp.float32),
            pltpu.VMEM_SHARED((nvrows, _H), jnp.float32),
            pltpu.SemaphoreType.DMA,
            pltpu.SemaphoreType.DMA,
        ],
    )
    def gather_k(table_hbm, idx_hbm, out_hbm, idx_v, bufa, bufb, shared,
                 sema, semb):
        sid = lax.axis_index("s")
        wid = sid * 2 + lax.axis_index("c")
        base = wid * per_w
        pltpu.sync_copy(table_hbm.at[pl.ds(sid * stg, stg)],
                        shared.at[pl.ds(sid * stg, stg)])
        pltpu.sync_copy(idx_hbm.at[pl.ds(base, per_w)], idx_v)
        plsc.subcore_barrier()

        def fire(j, buf, sem):
            src = shared.at[idx_v.at[pl.ds(j * _CH, _CH)]]
            pltpu.make_async_copy(src, buf, sem).start()

        def drain_store(j, buf, sem):
            pltpu.make_async_copy(shared.at[idx_v.at[pl.ds(0, _CH)]], buf,
                                  sem).wait()
            pltpu.sync_copy(buf, out_hbm.at[pl.ds(base + j * _CH, _CH)])

        fire(0, bufa, sema)

        def body(i, carry):
            ja = 2 * i
            jb = 2 * i + 1
            fire(jb, bufb, semb)
            drain_store(ja, bufa, sema)

            @pl.when(jb + 1 < nch)
            def _():
                fire(jb + 1, bufa, sema)

            drain_store(jb, bufb, semb)
            return carry

        lax.fori_loop(0, nch // 2, body, 0)

    return gather_k


def _init_body(pn_ref, lnod_ref, wp_ref, wl_ref, vec_ref, wc_ref,
               hv_ref, c_ref):
    hp = jnp.dot(pn_ref[0], wp_ref[...],
                 preferred_element_type=jnp.float32) + vec_ref[0]
    hl = jnp.dot(lnod_ref[0], wl_ref[...],
                 preferred_element_type=jnp.float32) + vec_ref[1]
    hv_ref[0, :_NP, :] = hp
    hv_ref[0, _NP:, :] = hl
    c_ref[0] = jnp.dot(hv_ref[0], wc_ref[...],
                       preferred_element_type=jnp.float32)


def _layer_body(hv_ref, g_ref, e_ref, r_ref, w1a_ref, me_ref, w2_ref,
                w3_ref, wi_ref, wo_ref, vec_ref, bi_ref, wcn_ref,
                hvo_ref, co_ref):
    f32 = jnp.float32
    bf16 = jnp.bfloat16
    hv = hv_ref[0]
    a = jnp.dot(hv, w1a_ref[...], preferred_element_type=f32) + vec_ref[0]
    e = e_ref[0].reshape(_TK, _H).astype(bf16)
    ep = jnp.dot(e, me_ref[...], preferred_element_type=f32)
    a_rep = jnp.broadcast_to(a[:, None, :], (_T, _K, _H)).reshape(_TK, _H)
    m = _gelu_bf(a_rep + ep + g_ref[0])
    m = _gelu_bf(jnp.dot(m, w2_ref[...],
                         preferred_element_type=f32) + vec_ref[2])
    s = jnp.dot(r_ref[...], m, preferred_element_type=f32)
    dh = jnp.dot(s.astype(bf16), w3_ref[...],
                 preferred_element_type=f32) * (1.0 / _SCALE) + vec_ref[1]
    x = _ln(hv + dh, vec_ref[3], vec_ref[4])
    d = _gelu_bf(jnp.dot(x.astype(bf16), wi_ref[...],
                         preferred_element_type=f32) + bi_ref[0])
    d = jnp.dot(d, wo_ref[...],
                preferred_element_type=f32) + vec_ref[5]
    x = _ln(x + d, vec_ref[6], vec_ref[7])
    hvo_ref[0] = x
    co_ref[0] = jnp.dot(x, wcn_ref[...], preferred_element_type=f32)


def _last_body(hv_ref, g_ref, e_ref, r_ref, w1a_ref, me_ref, w2_ref,
               w3_ref, wi_ref, wo_ref, vec_ref, bi_ref,
               wt_ref, emb_ref, wkv_ref, bkv_ref,
               vdec_ref, eaa_ref, fgeo_ref, fproj_ref):
    f32 = jnp.float32
    bf16 = jnp.bfloat16
    hv = hv_ref[0]
    a = jnp.dot(hv, w1a_ref[...], preferred_element_type=f32) + vec_ref[0]
    e = e_ref[0].reshape(_TK, _H).astype(bf16)
    ep = jnp.dot(e, me_ref[...], preferred_element_type=f32)
    a_rep = jnp.broadcast_to(a[:, None, :], (_T, _K, _H)).reshape(_TK, _H)
    m = _gelu_bf(a_rep + ep + g_ref[0])
    m = _gelu_bf(jnp.dot(m, w2_ref[...],
                         preferred_element_type=f32) + vec_ref[2])
    s = jnp.dot(r_ref[...], m, preferred_element_type=f32)
    dh = jnp.dot(s.astype(bf16), w3_ref[...],
                 preferred_element_type=f32) * (1.0 / _SCALE) + vec_ref[1]
    x = _ln(hv + dh, vec_ref[3], vec_ref[4])
    d = _gelu_bf(jnp.dot(x.astype(bf16), wi_ref[...],
                         preferred_element_type=f32) + bi_ref[0])
    d = jnp.dot(d, wo_ref[...],
                preferred_element_type=f32) + vec_ref[5]
    x = _ln(x + d, vec_ref[6], vec_ref[7])
    ids = wt_ref[0, 0, 0]
    iot = lax.broadcasted_iota(jnp.int32, (_T, 32), 1)
    onehot = jnp.where(ids[:, None] == iot, 1.0, 0.0).astype(f32)
    eaa = jnp.dot(onehot, emb_ref[...], preferred_element_type=f32)
    proj = (jnp.dot(x.astype(bf16), wkv_ref[:_H, :],
                    preferred_element_type=f32)
            + jnp.dot(eaa.astype(bf16), wkv_ref[_H:, :],
                      preferred_element_type=f32)
            + bkv_ref[0])
    vdec_ref[0] = x
    eaa_ref[0] = eaa
    fgeo_ref[0, :, :_H] = x
    fgeo_ref[0, :, _H:] = eaa
    fproj_ref[0] = proj


def kernel(protein_nodes, ligand_nodes, protein_ligand_edges, knn_idx,
           wt_residue_idx, protein_mask, ligand_mask, edge_mask, params):
    f32 = jnp.float32
    p = params
    nlayers = 3

    w1a = p['W1'][:, :_H, :]
    w1b = p['W1'][:, _H:2 * _H, :]
    w1c = p['W1'][:, 2 * _H:, :]
    me = jnp.einsum('eh,lhk->lek', p['We'], w1b)
    beb = jnp.einsum('e,leh->lh', p['be'], w1b)
    vecs = jnp.stack([p['b1'] + beb, p['b3'] * (_K / _SCALE), p['b2'],
                      p['ln1s'], p['ln1b'], p['bo'], p['ln2s'], p['ln2b']],
                     axis=1)
    rmat = jnp.kron(jnp.eye(_T, dtype=f32),
                    jnp.ones((1, _K), f32)).astype(jnp.bfloat16)
    wcn = w1c[1:]
    emb_pad = jnp.zeros((32, _H), f32).at[:21].set(p['emb'])
    init_vec = jnp.stack([p['bp'], p['bl']], axis=0)
    bf16 = jnp.bfloat16
    me_bf = me.astype(bf16)
    w2_bf = p['W2'].astype(bf16)
    w3_bf = p['W3'].astype(bf16)
    wi_bf = p['Wi'].astype(bf16)
    wo_bf = p['Wo'].astype(bf16)

    idx_flat = (knn_idx.astype(jnp.int32)
                + (jnp.arange(_B, dtype=jnp.int32) * _N)[:, None, None]
                ).reshape(_B * _N * _K)

    full = lambda shp: pl.BlockSpec(shp, lambda *_: tuple(0 for _ in shp))

    hv0, c0 = pl.pallas_call(
        _init_body,
        grid=(_B,),
        in_specs=[
            pl.BlockSpec((1, _NP, 128), lambda b: (b, 0, 0)),
            pl.BlockSpec((1, _NL, 64), lambda b: (b, 0, 0)),
            full((128, _H)),
            full((64, _H)),
            full((2, _H)),
            full((_H, _H)),
        ],
        out_specs=[
            pl.BlockSpec((1, _N, _H), lambda b: (b, 0, 0)),
            pl.BlockSpec((1, _N, _H), lambda b: (b, 0, 0)),
        ],
        out_shape=[
            jax.ShapeDtypeStruct((_B, _N, _H), f32),
            jax.ShapeDtypeStruct((_B, _N, _H), f32),
        ],
    )(protein_nodes, ligand_nodes, p['Wp'], p['Wl'], init_vec, w1c[0])

    sc_gather = _make_sc_gather(_B * _N * _K, _B * _N)

    layer_call = pl.pallas_call(
        _layer_body,
        grid=(_B, _N // _T),
        in_specs=[
            pl.BlockSpec((1, _T, _H), lambda b, t: (b, t, 0)),
            pl.BlockSpec((1, _TK, _H), lambda b, t: (b, t, 0)),
            pl.BlockSpec((1, _T, _K, 128), lambda b, t: (b, t, 0, 0)),
            full((_T, _TK)),
            full((_H, _H)),
            full((_H, _H)),
            full((_H, _H)),
            full((_H, _H)),
            full((_H, 4 * _H)),
            full((4 * _H, _H)),
            full((8, _H)),
            full((1, 4 * _H)),
            full((_H, _H)),
        ],
        out_specs=[
            pl.BlockSpec((1, _T, _H), lambda b, t: (b, t, 0)),
            pl.BlockSpec((1, _T, _H), lambda b, t: (b, t, 0)),
        ],
        out_shape=[
            jax.ShapeDtypeStruct((_B, _N, _H), f32),
            jax.ShapeDtypeStruct((_B, _N, _H), f32),
        ],
    )

    wt_pad = jnp.pad(wt_residue_idx.astype(jnp.int32),
                     ((0, 0), (0, _N - _NP)))
    wt4 = wt_pad.reshape(_B, _N // _T, 1, _T)
    last_call = pl.pallas_call(
        _last_body,
        grid=(_B, _N // _T),
        in_specs=[
            pl.BlockSpec((1, _T, _H), lambda b, t: (b, t, 0)),
            pl.BlockSpec((1, _TK, _H), lambda b, t: (b, t, 0)),
            pl.BlockSpec((1, _T, _K, 128), lambda b, t: (b, t, 0, 0)),
            full((_T, _TK)),
            full((_H, _H)),
            full((_H, _H)),
            full((_H, _H)),
            full((_H, _H)),
            full((_H, 4 * _H)),
            full((4 * _H, _H)),
            full((8, _H)),
            full((1, 4 * _H)),
            pl.BlockSpec((1, 1, 1, _T), lambda b, t: (b, t, 0, 0)),
            full((32, _H)),
            full((2 * _H, 1280)),
            full((1, 1280)),
        ],
        out_specs=[
            pl.BlockSpec((1, _T, _H), lambda b, t: (b, t, 0)),
            pl.BlockSpec((1, _T, _H), lambda b, t: (b, t, 0)),
            pl.BlockSpec((1, _T, 2 * _H), lambda b, t: (b, t, 0)),
            pl.BlockSpec((1, _T, 1280), lambda b, t: (b, t, 0)),
        ],
        out_shape=[
            jax.ShapeDtypeStruct((_B, _NP, _H), f32),
            jax.ShapeDtypeStruct((_B, _NP, _H), f32),
            jax.ShapeDtypeStruct((_B, _NP, 2 * _H), f32),
            jax.ShapeDtypeStruct((_B, _NP, 1280), f32),
        ],
    )

    hv, c = hv0, c0
    for i in range(nlayers - 1):
        g = sc_gather(c.reshape(_B * _N, _H), idx_flat)
        g = g.reshape(_B, _N * _K, _H)
        hv, c = layer_call(
            hv, g, protein_ligand_edges, rmat,
            w1a[i], me_bf[i], w2_bf[i], w3_bf[i], wi_bf[i], wo_bf[i],
            vecs[i], p['bi'][i].reshape(1, 4 * _H), wcn[i])

    g = sc_gather(c.reshape(_B * _N, _H), idx_flat)
    g = g.reshape(_B, _N * _K, _H)
    i = nlayers - 1
    vdec, eaa, fgeo, fproj = last_call(
        hv, g, protein_ligand_edges, rmat,
        w1a[i], me_bf[i], w2_bf[i], w3_bf[i], wi_bf[i], wo_bf[i],
        vecs[i], p['bi'][i].reshape(1, 4 * _H),
        wt4, emb_pad, p['Wkv'].astype(bf16), p['bkv'].reshape(1, 1280))

    return vdec, eaa, fgeo, fproj

# --- scband reference (transcript-rebuilt; emitter-appended) ---
"""Pipeline reference for scband-ligand-mpnnencoder-25340307046765 (READ-ONLY COPY).

The authoritative reference and input builder live on the scoring server;
editing this copy changes nothing except your own understanding.
"""

import jax, jax.numpy as jnp
import numpy as np

B, NP, NL, K = 2, 2000, 48, 32
N = NP + NL
DP, DL, DE = 128, 64, 128
H = 128
AAV, AAE = 21, 128
NLAYERS = 3
KV = 1280
SCALE = 30.0


def gather_nodes(nodes, idx):
    b, n, k = idx.shape
    flat = idx.reshape(b, n * k)
    g = jnp.take_along_axis(nodes, flat[:, :, None], axis=1)
    return g.reshape(b, n, k, nodes.shape[-1])


def layer_norm(x, s, bshift):
    m = jnp.mean(x, axis=-1, keepdims=True)
    v = jnp.var(x, axis=-1, keepdims=True)
    return (x - m) / jnp.sqrt(v + 1e-5) * s + bshift


def make_params(key):
    ks = jax.random.split(key, 16)
    def w(k, shape):
        return jax.random.normal(k, shape, dtype=jnp.float32) * 0.05
    p = {}
    p['Wp'] = w(ks[0], (DP, H)); p['bp'] = jnp.zeros((H,), jnp.float32)
    p['Wl'] = w(ks[1], (DL, H)); p['bl'] = jnp.zeros((H,), jnp.float32)
    p['We'] = w(ks[2], (DE, H)); p['be'] = jnp.zeros((H,), jnp.float32)
    p['W1'] = w(ks[3], (NLAYERS, 3 * H, H)); p['b1'] = jnp.zeros((NLAYERS, H), jnp.float32)
    p['W2'] = w(ks[4], (NLAYERS, H, H)); p['b2'] = jnp.zeros((NLAYERS, H), jnp.float32)
    p['W3'] = w(ks[5], (NLAYERS, H, H)); p['b3'] = jnp.zeros((NLAYERS, H), jnp.float32)
    p['ln1s'] = jnp.ones((NLAYERS, H), jnp.float32); p['ln1b'] = jnp.zeros((NLAYERS, H), jnp.float32)
    p['ln2s'] = jnp.ones((NLAYERS, H), jnp.float32); p['ln2b'] = jnp.zeros((NLAYERS, H), jnp.float32)
    p['Wi'] = w(ks[6], (NLAYERS, H, 4 * H)); p['bi'] = jnp.zeros((NLAYERS, 4 * H), jnp.float32)
    p['Wo'] = w(ks[7], (NLAYERS, 4 * H, H)); p['bo'] = jnp.zeros((NLAYERS, H), jnp.float32)
    p['emb'] = w(ks[8], (AAV, AAE))
    p['Wkv'] = w(ks[9], (H + AAE, KV)); p['bkv'] = jnp.zeros((KV,), jnp.float32)
    return p


def setup_inputs(seed: int = 0):
    key = jax.random.key(seed)
    ks = jax.random.split(key, 8)
    return {
        'protein_nodes': jax.random.normal(ks[0], (B, NP, DP), dtype=jnp.float32),
        'ligand_nodes': jax.random.normal(ks[1], (B, NL, DL), dtype=jnp.float32),
        'protein_ligand_edges': jax.random.normal(ks[2], (B, N, K, DE), dtype=jnp.float32),
        'knn_idx': jax.random.randint(ks[3], (B, N, K), 0, N, dtype=jnp.int32),
        'wt_residue_idx': jax.random.randint(ks[4], (B, NP), 0, AAV, dtype=jnp.int32),
        'protein_mask': jnp.ones((B, NP), jnp.float32),
        'ligand_mask': jnp.ones((B, NL), jnp.float32),
        'edge_mask': jnp.ones((B, N, K), jnp.float32),
        'params': make_params(ks[5]),
    }


def _forward(protein_nodes, ligand_nodes, protein_ligand_edges, protein_mask, ligand_mask, edge_mask, params, knn_idx, wt_residue_idx):
    hp = protein_nodes @ params['Wp'] + params['bp']
    hl = ligand_nodes @ params['Wl'] + params['bl']
    h_V = jnp.concatenate([hp, hl], axis=1)
    h_E = protein_ligand_edges @ params['We'] + params['be']
    node_mask = jnp.concatenate([protein_mask, ligand_mask], axis=1)
    knn_valid = gather_nodes(node_mask[:, :, None], knn_idx)[..., 0]
    vis = jnp.ones_like(edge_mask) * knn_valid * node_mask[:, :, None] * edge_mask
    for i in range(NLAYERS):
        # cat_neighbors_nodes(h_V, h_E, knn_idx) = cat([h_E, gather_nodes(h_V, idx)], -1)
        h_ESV = jnp.concatenate([h_E, gather_nodes(h_V, knn_idx)], axis=-1)
        h_ESV = h_ESV * vis[..., None]
        h_V_expand = jnp.broadcast_to(h_V[:, :, None, :], (h_V.shape[0], h_V.shape[1], K, H))
        h_EV = jnp.concatenate([h_V_expand, h_ESV], axis=-1)
        m = jax.nn.gelu(h_EV @ params['W1'][i] + params['b1'][i])
        m = jax.nn.gelu(m @ params['W2'][i] + params['b2'][i])
        m = m @ params['W3'][i] + params['b3'][i]
        m = m * vis[..., None]
        dh = jnp.sum(m, axis=-2) / SCALE
        h_V = layer_norm(h_V + dh, params['ln1s'][i], params['ln1b'][i])
        d = jax.nn.gelu(h_V @ params['Wi'][i] + params['bi'][i]) @ params['Wo'][i] + params['bo'][i]
        h_V = layer_norm(h_V + d, params['ln2s'][i], params['ln2b'][i])
        h_V = h_V * node_mask[:, :, None]
    V_dec = h_V[:, :NP, :]
    E_AA = jnp.take(params['emb'], wt_residue_idx, axis=0)
    F_geo = jnp.concatenate([V_dec, E_AA], axis=-1)
    F_geo_proj = F_geo @ params['Wkv'] + params['bkv']
    return V_dec, E_AA, F_geo, F_geo_proj


def reference(protein_nodes, ligand_nodes, protein_ligand_edges, knn_idx, wt_residue_idx, protein_mask, ligand_mask, edge_mask, params):
    return _forward(protein_nodes, ligand_nodes, protein_ligand_edges, protein_mask, ligand_mask, edge_mask, params, knn_idx, wt_residue_idx)

if __name__ == "__main__":
    import jax
    _d = setup_inputs()
    print(jax.jit(kernel)(*tuple(_d.values())))

</pallas_src>

<mosaic_0001>
#map = affine_map<(d0, d1) -> (0, 0)>
#map1 = affine_map<(d0, d1) -> (0)>
module attributes {stable_mosaic.version = 14 : i64} {
  func.func @gather_k(%arg0: i32, %arg1: i32, %arg2: memref<4096x128xf32, #tpu.memory_space<hbm>>, %arg3: memref<131072xi32, #tpu.memory_space<hbm>>, %arg4: memref<131072x128xf32, #tpu.memory_space<hbm>>, %arg5: memref<4096xi32, #tpu.memory_space<vmem>>, %arg6: memref<128x128xf32, #tpu.memory_space<vmem>>, %arg7: memref<128x128xf32, #tpu.memory_space<vmem>>, %arg8: memref<4096x128xf32, #tpu.memory_space<vmem_shared>>, %arg9: memref<!tpu.dma_semaphore, #tpu.memory_space<semaphore_mem>>, %arg10: memref<!tpu.dma_semaphore, #tpu.memory_space<semaphore_mem>>) attributes {dimension_semantics = [#tpu.dimension_semantics<core_parallel>, #tpu.dimension_semantics<subcore_parallel>], iteration_bounds = array<i64: 2, 16>, scalar_prefetch = 0 : i64, scratch_operands = 6 : i64, tpu.core_type = #tpu.core_type<sc_vector_subcore>, window_params = [{transform_indices = #map}, {transform_indices = #map1}, {transform_indices = #map}]} {
    %mul3A = arith.constant 2 : i32
    %mul3A_0 = arith.muli %arg1, %mul3A : i32
    %add3A = arith.addi %mul3A_0, %arg0 : i32
    %mul3A_1 = arith.constant 4096 : i32
    %mul3A_2 = arith.muli %add3A, %mul3A_1 : i32
    %mul3A_3 = arith.constant 256 : i32
    %mul3A_4 = arith.muli %arg1, %mul3A_3 : i32
    %mul3A_5 = arith.constant 256 : i32
    %mul3A_6 = arith.muli %arg1, %mul3A_5 : i32
    "tpu.region"() ({
      %run_scoped3A = tpu.sem_alloc : memref<!tpu.dma_semaphore, #tpu.memory_space<semaphore_mem>>
      %dma_start3A_16 = arith.constant 0 : i32
      %dma_start3A_17 = tpu.memref_slice %arg8[%mul3A_6, %dma_start3A_16] : memref<4096x128xf32, #tpu.memory_space<vmem_shared>> -> memref<256x128xf32, #tpu.memory_space<vmem_shared>>
      %dma_start3A_18 = arith.constant 0 : i32
      %dma_start3A_19 = tpu.memref_slice %arg2[%mul3A_4, %dma_start3A_18] : memref<4096x128xf32, #tpu.memory_space<hbm>> -> memref<256x128xf32, #tpu.memory_space<hbm>>
      tpu.enqueue_dma source(%dma_start3A_19 : memref<256x128xf32, #tpu.memory_space<hbm>>) target(%dma_start3A_17 : memref<256x128xf32, #tpu.memory_space<vmem_shared>>) target_semaphore(%run_scoped3A : memref<!tpu.dma_semaphore, #tpu.memory_space<semaphore_mem>>)
      %dma_wait3A = arith.constant 0 : i32
      %dma_wait3A_20 = tpu.memref_slice %arg8[%mul3A_6, %dma_wait3A] : memref<4096x128xf32, #tpu.memory_space<vmem_shared>> -> memref<256x128xf32, #tpu.memory_space<vmem_shared>>
      %dma_wait3A_21 = arith.constant 0 : i32
      %dma_wait3A_22 = tpu.memref_slice %arg2[%mul3A_4, %dma_wait3A_21] : memref<4096x128xf32, #tpu.memory_space<hbm>> -> memref<256x128xf32, #tpu.memory_space<hbm>>
      tpu.wait_dma2 semaphore(%run_scoped3A : memref<!tpu.dma_semaphore, #tpu.memory_space<semaphore_mem>>) src(%dma_wait3A_22 : memref<256x128xf32, #tpu.memory_space<hbm>>) dst(%dma_wait3A_20 : memref<256x128xf32, #tpu.memory_space<vmem_shared>>)
      tpu.yield
    }) : () -> ()
    "tpu.region"() ({
      %run_scoped3A = tpu.sem_alloc : memref<!tpu.dma_semaphore, #tpu.memory_space<semaphore_mem>>
      %dma_start3A_16 = tpu.memref_slice %arg3[%mul3A_2] : memref<131072xi32, #tpu.memory_space<hbm>> -> memref<4096xi32, #tpu.memory_space<hbm>>
      %dma_start3A_17 = tpu.memref_slice %arg3[%mul3A_2] : memref<131072xi32, #tpu.memory_space<hbm>> -> memref<4096xi32, #tpu.memory_space<hbm>>
      tpu.enqueue_dma source(%dma_start3A_17 : memref<4096xi32, #tpu.memory_space<hbm>>) target(%arg5 : memref<4096xi32, #tpu.memory_space<vmem>>) target_semaphore(%run_scoped3A : memref<!tpu.dma_semaphore, #tpu.memory_space<semaphore_mem>>)
      %dma_wait3A = tpu.memref_slice %arg3[%mul3A_2] : memref<131072xi32, #tpu.memory_space<hbm>> -> memref<4096xi32, #tpu.memory_space<hbm>>
      %dma_wait3A_18 = tpu.memref_slice %arg3[%mul3A_2] : memref<131072xi32, #tpu.memory_space<hbm>> -> memref<4096xi32, #tpu.memory_space<hbm>>
      tpu.wait_dma2 semaphore(%run_scoped3A : memref<!tpu.dma_semaphore, #tpu.memory_space<semaphore_mem>>) src(%dma_wait3A_18 : memref<4096xi32, #tpu.memory_space<hbm>>) dst(%arg5 : memref<4096xi32, #tpu.memory_space<vmem>>)
      tpu.yield
    }) : () -> ()
    %barrier3A = arith.constant 0 : index
    tpu.barrier barrier_id(%barrier3A)
    %dma_start3A = arith.constant 0 : i32
    %dma_start3A_7 = tpu.memref_slice %arg5[%dma_start3A] : memref<4096xi32, #tpu.memory_space<vmem>> -> memref<128xi32, #tpu.memory_space<vmem>>
    %dma_start3A_8 = arith.constant 0 : i32
    %dma_start3A_9 = arith.constant 0 : i32
    %dma_start3A_10 = tpu.memref_slice %arg8[%dma_start3A_8, %dma_start3A_9] : memref<4096x128xf32, #tpu.memory_space<vmem_shared>> -> memref<4096x128xf32, #tpu.memory_space<vmem_shared>>
    tpu.enqueue_indirect_dma source(%dma_start3A_10 : memref<4096x128xf32, #tpu.memory_space<vmem_shared>>) target(%arg6 : memref<128x128xf32, #tpu.memory_space<vmem>>) offsets(%dma_start3A_7 : memref<128xi32, #tpu.memory_space<vmem>>) semaphore(%arg9 : memref<!tpu.dma_semaphore, #tpu.memory_space<semaphore_mem>>)
    %scan3A = arith.constant 0 : i32
    %scan3A_11 = arith.constant 0 : i32
    %scan3A_12 = arith.constant 16 : i32
    %scan3A_13 = arith.addi %scan3A_11, %scan3A_12 : i32
    %scan3A_14 = arith.constant 1 : i32
    scf.for %scan3A_16 = %scan3A_11 to %scan3A_13 step %scan3A_14  : i32 {
      %mul3A_17 = arith.constant 2 : i32
      %mul3A_18 = arith.muli %mul3A_17, %scan3A_16 : i32
      %mul3A_19 = arith.constant 2 : i32
      %mul3A_20 = arith.muli %mul3A_19, %scan3A_16 : i32
      %add3A_21 = arith.constant 1 : i32
      %add3A_22 = arith.addi %mul3A_20, %add3A_21 : i32
      %mul3A_23 = arith.constant 128 : i32
      %mul3A_24 = arith.muli %add3A_22, %mul3A_23 : i32
      %dma_start3A_25 = tpu.memref_slice %arg5[%mul3A_24] : memref<4096xi32, #tpu.memory_space<vmem>> -> memref<128xi32, #tpu.memory_space<vmem>>
      %dma_start3A_26 = arith.constant 0 : i32
      %dma_start3A_27 = arith.constant 0 : i32
      %dma_start3A_28 = tpu.memref_slice %arg8[%dma_start3A_26, %dma_start3A_27] : memref<4096x128xf32, #tpu.memory_space<vmem_shared>> -> memref<4096x128xf32, #tpu.memory_space<vmem_shared>>
      tpu.enqueue_indirect_dma source(%dma_start3A_28 : memref<4096x128xf32, #tpu.memory_space<vmem_shared>>) target(%arg7 : memref<128x128xf32, #tpu.memory_space<vmem>>) offsets(%dma_start3A_25 : memref<128xi32, #tpu.memory_space<vmem>>) semaphore(%arg10 : memref<!tpu.dma_semaphore, #tpu.memory_space<semaphore_mem>>)
      %dma_wait3A = arith.constant 0 : i32
      %dma_wait3A_29 = tpu.memref_slice %arg5[%dma_wait3A] : memref<4096xi32, #tpu.memory_space<vmem>> -> memref<128xi32, #tpu.memory_space<vmem>>
      %dma_wait3A_30 = arith.constant 0 : i32
      %dma_wait3A_31 = arith.constant 0 : i32
      %dma_wait3A_32 = tpu.memref_slice %arg8[%dma_wait3A_30, %dma_wait3A_31] : memref<4096x128xf32, #tpu.memory_space<vmem_shared>> -> memref<4096x128xf32, #tpu.memory_space<vmem_shared>>
      tpu.wait_indirect_dma semaphore(%arg9 : memref<!tpu.dma_semaphore, #tpu.memory_space<semaphore_mem>>) src(%dma_wait3A_32 : memref<4096x128xf32, #tpu.memory_space<vmem_shared>>) dst(%arg6 : memref<128x128xf32, #tpu.memory_space<vmem>>)
      %mul3A_33 = arith.constant 128 : i32
      %mul3A_34 = arith.muli %mul3A_18, %mul3A_33 : i32
      %add3A_35 = arith.addi %mul3A_2, %mul3A_34 : i32
      "tpu.region"() ({
        %run_scoped3A = tpu.sem_alloc : memref<!tpu.dma_semaphore, #tpu.memory_space<semaphore_mem>>
        %dma_start3A_48 = arith.constant 0 : i32
        %dma_start3A_49 = tpu.memref_slice %arg4[%add3A_35, %dma_start3A_48] : memref<131072x128xf32, #tpu.memory_space<hbm>> -> memref<128x128xf32, #tpu.memory_space<hbm>>
        %dma_start3A_50 = arith.constant 0 : i32
        %dma_start3A_51 = tpu.memref_slice %arg4[%add3A_35, %dma_start3A_50] : memref<131072x128xf32, #tpu.memory_space<hbm>> -> memref<128x128xf32, #tpu.memory_space<hbm>>
        tpu.enqueue_dma source(%arg6 : memref<128x128xf32, #tpu.memory_space<vmem>>) target(%dma_start3A_51 : memref<128x128xf32, #tpu.memory_space<hbm>>) target_semaphore(%run_scoped3A : memref<!tpu.dma_semaphore, #tpu.memory_space<semaphore_mem>>)
        %dma_wait3A_52 = arith.constant 0 : i32
        %dma_wait3A_53 = tpu.memref_slice %arg4[%add3A_35, %dma_wait3A_52] : memref<131072x128xf32, #tpu.memory_space<hbm>> -> memref<128x128xf32, #tpu.memory_space<hbm>>
        %dma_wait3A_54 = arith.constant 0 : i32
        %dma_wait3A_55 = tpu.memref_slice %arg4[%add3A_35, %dma_wait3A_54] : memref<131072x128xf32, #tpu.memory_space<hbm>> -> memref<128x128xf32, #tpu.memory_space<hbm>>
        tpu.wait_dma2 semaphore(%run_scoped3A : memref<!tpu.dma_semaphore, #tpu.memory_space<semaphore_mem>>) src(%arg6 : memref<128x128xf32, #tpu.memory_space<vmem>>) dst(%dma_wait3A_55 : memref<128x128xf32, #tpu.memory_space<hbm>>)
        tpu.yield
      }) : () -> ()
      %add3A_36 = arith.constant 1 : i32
      %add3A_37 = arith.addi %add3A_22, %add3A_36 : i32
      %lt3A = arith.constant 32 : i32
      %lt3A_38 = arith.cmpi slt, %add3A_37, %lt3A : i32
      %convert_element_type3A = arith.extui %lt3A_38 : i1 to i32
      %cond3A = arith.constant 0 : i32
      %cond3A_39 = arith.cmpi ne, %convert_element_type3A, %cond3A : i32
      scf.if %cond3A_39 {
        %add3A_48 = arith.constant 1 : i32
        %add3A_49 = arith.addi %add3A_22, %add3A_48 : i32
        %mul3A_50 = arith.constant 128 : i32
        %mul3A_51 = arith.muli %add3A_49, %mul3A_50 : i32
        %dma_start3A_52 = tpu.memref_slice %arg5[%mul3A_51] : memref<4096xi32, #tpu.memory_space<vmem>> -> memref<128xi32, #tpu.memory_space<vmem>>
        %dma_start3A_53 = arith.constant 0 : i32
        %dma_start3A_54 = arith.constant 0 : i32
        %dma_start3A_55 = tpu.memref_slice %arg8[%dma_start3A_53, %dma_start3A_54] : memref<4096x128xf32, #tpu.memory_space<vmem_shared>> -> memref<4096x128xf32, #tpu.memory_space<vmem_shared>>
        tpu.enqueue_indirect_dma source(%dma_start3A_55 : memref<4096x128xf32, #tpu.memory_space<vmem_shared>>) target(%arg6 : memref<128x128xf32, #tpu.memory_space<vmem>>) offsets(%dma_start3A_52 : memref<128xi32, #tpu.memory_space<vmem>>) semaphore(%arg9 : memref<!tpu.dma_semaphore, #tpu.memory_space<semaphore_mem>>)
      } else {
      }
      %dma_wait3A_40 = arith.constant 0 : i32
      %dma_wait3A_41 = tpu.memref_slice %arg5[%dma_wait3A_40] : memref<4096xi32, #tpu.memory_space<vmem>> -> memref<128xi32, #tpu.memory_space<vmem>>
      %dma_wait3A_42 = arith.constant 0 : i32
      %dma_wait3A_43 = arith.constant 0 : i32
      %dma_wait3A_44 = tpu.memref_slice %arg8[%dma_wait3A_42, %dma_wait3A_43] : memref<4096x128xf32, #tpu.memory_space<vmem_shared>> -> memref<4096x128xf32, #tpu.memory_space<vmem_shared>>
      tpu.wait_indirect_dma semaphore(%arg10 : memref<!tpu.dma_semaphore, #tpu.memory_space<semaphore_mem>>) src(%dma_wait3A_44 : memref<4096x128xf32, #tpu.memory_space<vmem_shared>>) dst(%arg7 : memref<128x128xf32, #tpu.memory_space<vmem>>)
      %mul3A_45 = arith.constant 128 : i32
      %mul3A_46 = arith.muli %add3A_22, %mul3A_45 : i32
      %add3A_47 = arith.addi %mul3A_2, %mul3A_46 : i32
      "tpu.region"() ({
        %run_scoped3A = tpu.sem_alloc : memref<!tpu.dma_semaphore, #tpu.memory_space<semaphore_mem>>
        %dma_start3A_48 = arith.constant 0 : i32
        %dma_start3A_49 = tpu.memref_slice %arg4[%add3A_47, %dma_start3A_48] : memref<131072x128xf32, #tpu.memory_space<hbm>> -> memref<128x128xf32, #tpu.memory_space<hbm>>
        %dma_start3A_50 = arith.constant 0 : i32
        %dma_start3A_51 = tpu.memref_slice %arg4[%add3A_47, %dma_start3A_50] : memref<131072x128xf32, #tpu.memory_space<hbm>> -> memref<128x128xf32, #tpu.memory_space<hbm>>
        tpu.enqueue_dma source(%arg7 : memref<128x128xf32, #tpu.memory_space<vmem>>) target(%dma_start3A_51 : memref<128x128xf32, #tpu.memory_space<hbm>>) target_semaphore(%run_scoped3A : memref<!tpu.dma_semaphore, #tpu.memory_space<semaphore_mem>>)
        %dma_wait3A_52 = arith.constant 0 : i32
        %dma_wait3A_53 = tpu.memref_slice %arg4[%add3A_47, %dma_wait3A_52] : memref<131072x128xf32, #tpu.memory_space<hbm>> -> memref<128x128xf32, #tpu.memory_space<hbm>>
        %dma_wait3A_54 = arith.constant 0 : i32
        %dma_wait3A_55 = tpu.memref_slice %arg4[%add3A_47, %dma_wait3A_54] : memref<131072x128xf32, #tpu.memory_space<hbm>> -> memref<128x128xf32, #tpu.memory_space<hbm>>
        tpu.wait_dma2 semaphore(%run_scoped3A : memref<!tpu.dma_semaphore, #tpu.memory_space<semaphore_mem>>) src(%arg7 : memref<128x128xf32, #tpu.memory_space<vmem>>) dst(%dma_wait3A_55 : memref<128x128xf32, #tpu.memory_space<hbm>>)
        tpu.yield
      }) : () -> ()
    }
    %scan3A_15 = arith.constant 16 : i32
    return
  }
}

#map = affine_map<(d0, d1) -> (0, 0)>
#map1 = affine_map<(d0, d1) -> (0)>
module attributes {stable_mosaic.version = 14 : i64} {
  func.func @gather_k(%arg0: i32, %arg1: i32, %arg2: memref<4096x128xf32, #tpu.memory_space<hbm>>, %arg3: memref<131072xi32, #tpu.memory_space<hbm>>, %arg4: memref<131072x128xf32, #tpu.memory_space<hbm>>, %arg5: memref<4096xi32, #tpu.memory_space<vmem>>, %arg6: memref<128x128xf32, #tpu.memory_space<vmem>>, %arg7: memref<128x128xf32, #tpu.memory_space<vmem>>, %arg8: memref<4096x128xf32, #tpu.memory_space<vmem_shared>>, %arg9: memref<!tpu.dma_semaphore, #tpu.memory_space<semaphore_mem>>, %arg10: memref<!tpu.dma_semaphore, #tpu.memory_space<semaphore_mem>>) attributes {dimension_semantics = [#tpu.dimension_semantics<core_parallel>, #tpu.dimension_semantics<subcore_parallel>], iteration_bounds = array<i64: 2, 16>, scalar_prefetch = 0 : i64, scratch_operands = 6 : i64, tpu.core_type = #tpu.core_type<sc_vector_subcore>, window_params = [{transform_indices = #map}, {transform_indices = #map1}, {transform_indices = #map}]} {
    %mul3A = arith.constant 2 : i32
    %mul3A_0 = arith.muli %arg1, %mul3A : i32
    %add3A = arith.addi %mul3A_0, %arg0 : i32
    %mul3A_1 = arith.constant 4096 : i32
    %mul3A_2 = arith.muli %add3A, %mul3A_1 : i32
    %mul3A_3 = arith.constant 256 : i32
    %mul3A_4 = arith.muli %arg1, %mul3A_3 : i32
    %mul3A_5 = arith.constant 256 : i32
    %mul3A_6 = arith.muli %arg1, %mul3A_5 : i32
    "tpu.region"() ({
      %run_scoped3A = tpu.sem_alloc : memref<!tpu.dma_semaphore, #tpu.memory_space<semaphore_mem>>
      %dma_start3A_16 = arith.constant 0 : i32
      %dma_start3A_17 = tpu.memref_slice %arg8[%mul3A_6, %dma_start3A_16] : memref<4096x128xf32, #tpu.memory_space<vmem_shared>> -> memref<256x128xf32, #tpu.memory_space<vmem_shared>>
      %dma_start3A_18 = arith.constant 0 : i32
      %dma_start3A_19 = tpu.memref_slice %arg2[%mul3A_4, %dma_start3A_18] : memref<4096x128xf32, #tpu.memory_space<hbm>> -> memref<256x128xf32, #tpu.memory_space<hbm>>
      tpu.enqueue_dma source(%dma_start3A_19 : memref<256x128xf32, #tpu.memory_space<hbm>>) target(%dma_start3A_17 : memref<256x128xf32, #tpu.memory_space<vmem_shared>>) target_semaphore(%run_scoped3A : memref<!tpu.dma_semaphore, #tpu.memory_space<semaphore_mem>>)
      %dma_wait3A = arith.constant 0 : i32
      %dma_wait3A_20 = tpu.memref_slice %arg8[%mul3A_6, %dma_wait3A] : memref<4096x128xf32, #tpu.memory_space<vmem_shared>> -> memref<256x128xf32, #tpu.memory_space<vmem_shared>>
      %dma_wait3A_21 = arith.constant 0 : i32
      %dma_wait3A_22 = tpu.memref_slice %arg2[%mul3A_4, %dma_wait3A_21] : memref<4096x128xf32, #tpu.memory_space<hbm>> -> memref<256x128xf32, #tpu.memory_space<hbm>>
      tpu.wait_dma2 semaphore(%run_scoped3A : memref<!tpu.dma_semaphore, #tpu.memory_space<semaphore_mem>>) src(%dma_wait3A_22 : memref<256x128xf32, #tpu.memory_space<hbm>>) dst(%dma_wait3A_20 : memref<256x128xf32, #tpu.memory_space<vmem_shared>>)
      tpu.yield
    }) : () -> ()
    "tpu.region"() ({
      %run_scoped3A = tpu.sem_alloc : memref<!tpu.dma_semaphore, #tpu.memory_space<semaphore_mem>>
      %dma_start3A_16 = tpu.memref_slice %arg3[%mul3A_2] : memref<131072xi32, #tpu.memory_space<hbm>> -> memref<4096xi32, #tpu.memory_space<hbm>>
      %dma_start3A_17 = tpu.memref_slice %arg3[%mul3A_2] : memref<131072xi32, #tpu.memory_space<hbm>> -> memref<4096xi32, #tpu.memory_space<hbm>>
      tpu.enqueue_dma source(%dma_start3A_17 : memref<4096xi32, #tpu.memory_space<hbm>>) target(%arg5 : memref<4096xi32, #tpu.memory_space<vmem>>) target_semaphore(%run_scoped3A : memref<!tpu.dma_semaphore, #tpu.memory_space<semaphore_mem>>)
      %dma_wait3A = tpu.memref_slice %arg3[%mul3A_2] : memref<131072xi32, #tpu.memory_space<hbm>> -> memref<4096xi32, #tpu.memory_space<hbm>>
      %dma_wait3A_18 = tpu.memref_slice %arg3[%mul3A_2] : memref<131072xi32, #tpu.memory_space<hbm>> -> memref<4096xi32, #tpu.memory_space<hbm>>
      tpu.wait_dma2 semaphore(%run_scoped3A : memref<!tpu.dma_semaphore, #tpu.memory_space<semaphore_mem>>) src(%dma_wait3A_18 : memref<4096xi32, #tpu.memory_space<hbm>>) dst(%arg5 : memref<4096xi32, #tpu.memory_space<vmem>>)
      tpu.yield
    }) : () -> ()
    %barrier3A = arith.constant 0 : index
    tpu.barrier barrier_id(%barrier3A)
    %dma_start3A = arith.constant 0 : i32
    %dma_start3A_7 = tpu.memref_slice %arg5[%dma_start3A] : memref<4096xi32, #tpu.memory_space<vmem>> -> memref<128xi32, #tpu.memory_space<vmem>>
    %dma_start3A_8 = arith.constant 0 : i32
    %dma_start3A_9 = arith.constant 0 : i32
    %dma_start3A_10 = tpu.memref_slice %arg8[%dma_start3A_8, %dma_start3A_9] : memref<4096x128xf32, #tpu.memory_space<vmem_shared>> -> memref<4096x128xf32, #tpu.memory_space<vmem_shared>>
    tpu.enqueue_indirect_dma source(%dma_start3A_10 : memref<4096x128xf32, #tpu.memory_space<vmem_shared>>) target(%arg6 : memref<128x128xf32, #tpu.memory_space<vmem>>) offsets(%dma_start3A_7 : memref<128xi32, #tpu.memory_space<vmem>>) semaphore(%arg9 : memref<!tpu.dma_semaphore, #tpu.memory_space<semaphore_mem>>)
    %scan3A = arith.constant 0 : i32
    %scan3A_11 = arith.constant 0 : i32
    %scan3A_12 = arith.constant 16 : i32
    %scan3A_13 = arith.addi %scan3A_11, %scan3A_12 : i32
    %scan3A_14 = arith.constant 1 : i32
    scf.for %scan3A_16 = %scan3A_11 to %scan3A_13 step %scan3A_14  : i32 {
      %mul3A_17 = arith.constant 2 : i32
      %mul3A_18 = arith.muli %mul3A_17, %scan3A_16 : i32
      %mul3A_19 = arith.constant 2 : i32
      %mul3A_20 = arith.muli %mul3A_19, %scan3A_16 : i32
      %add3A_21 = arith.constant 1 : i32
      %add3A_22 = arith.addi %mul3A_20, %add3A_21 : i32
      %mul3A_23 = arith.constant 128 : i32
      %mul3A_24 = arith.muli %add3A_22, %mul3A_23 : i32
      %dma_start3A_25 = tpu.memref_slice %arg5[%mul3A_24] : memref<4096xi32, #tpu.memory_space<vmem>> -> memref<128xi32, #tpu.memory_space<vmem>>
      %dma_start3A_26 = arith.constant 0 : i32
      %dma_start3A_27 = arith.constant 0 : i32
      %dma_start3A_28 = tpu.memref_slice %arg8[%dma_start3A_26, %dma_start3A_27] : memref<4096x128xf32, #tpu.memory_space<vmem_shared>> -> memref<4096x128xf32, #tpu.memory_space<vmem_shared>>
      tpu.enqueue_indirect_dma source(%dma_start3A_28 : memref<4096x128xf32, #tpu.memory_space<vmem_shared>>) target(%arg7 : memref<128x128xf32, #tpu.memory_space<vmem>>) offsets(%dma_start3A_25 : memref<128xi32, #tpu.memory_space<vmem>>) semaphore(%arg10 : memref<!tpu.dma_semaphore, #tpu.memory_space<semaphore_mem>>)
      %dma_wait3A = arith.constant 0 : i32
      %dma_wait3A_29 = tpu.memref_slice %arg5[%dma_wait3A] : memref<4096xi32, #tpu.memory_space<vmem>> -> memref<128xi32, #tpu.memory_space<vmem>>
      %dma_wait3A_30 = arith.constant 0 : i32
      %dma_wait3A_31 = arith.constant 0 : i32
      %dma_wait3A_32 = tpu.memref_slice %arg8[%dma_wait3A_30, %dma_wait3A_31] : memref<4096x128xf32, #tpu.memory_space<vmem_shared>> -> memref<4096x128xf32, #tpu.memory_space<vmem_shared>>
      tpu.wait_indirect_dma semaphore(%arg9 : memref<!tpu.dma_semaphore, #tpu.memory_space<semaphore_mem>>) src(%dma_wait3A_32 : memref<4096x128xf32, #tpu.memory_space<vmem_shared>>) dst(%arg6 : memref<128x128xf32, #tpu.memory_space<vmem>>)
      %mul3A_33 = arith.constant 128 : i32
      %mul3A_34 = arith.muli %mul3A_18, %mul3A_33 : i32
      %add3A_35 = arith.addi %mul3A_2, %mul3A_34 : i32
      "tpu.region"() ({
        %run_scoped3A = tpu.sem_alloc : memref<!tpu.dma_semaphore, #tpu.memory_space<semaphore_mem>>
        %dma_start3A_48 = arith.constant 0 : i32
        %dma_start3A_49 = tpu.memref_slice %arg4[%add3A_35, %dma_start3A_48] : memref<131072x128xf32, #tpu.memory_space<hbm>> -> memref<128x128xf32, #tpu.memory_space<hbm>>
        %dma_start3A_50 = arith.constant 0 : i32
        %dma_start3A_51 = tpu.memref_slice %arg4[%add3A_35, %dma_start3A_50] : memref<131072x128xf32, #tpu.memory_space<hbm>> -> memref<128x128xf32, #tpu.memory_space<hbm>>
        tpu.enqueue_dma source(%arg6 : memref<128x128xf32, #tpu.memory_space<vmem>>) target(%dma_start3A_51 : memref<128x128xf32, #tpu.memory_space<hbm>>) target_semaphore(%run_scoped3A : memref<!tpu.dma_semaphore, #tpu.memory_space<semaphore_mem>>)
        %dma_wait3A_52 = arith.constant 0 : i32
        %dma_wait3A_53 = tpu.memref_slice %arg4[%add3A_35, %dma_wait3A_52] : memref<131072x128xf32, #tpu.memory_space<hbm>> -> memref<128x128xf32, #tpu.memory_space<hbm>>
        %dma_wait3A_54 = arith.constant 0 : i32
        %dma_wait3A_55 = tpu.memref_slice %arg4[%add3A_35, %dma_wait3A_54] : memref<131072x128xf32, #tpu.memory_space<hbm>> -> memref<128x128xf32, #tpu.memory_space<hbm>>
        tpu.wait_dma2 semaphore(%run_scoped3A : memref<!tpu.dma_semaphore, #tpu.memory_space<semaphore_mem>>) src(%arg6 : memref<128x128xf32, #tpu.memory_space<vmem>>) dst(%dma_wait3A_55 : memref<128x128xf32, #tpu.memory_space<hbm>>)
        tpu.yield
      }) : () -> ()
      %add3A_36 = arith.constant 1 : i32
      %add3A_37 = arith.addi %add3A_22, %add3A_36 : i32
      %lt3A = arith.constant 32 : i32
      %lt3A_38 = arith.cmpi slt, %add3A_37, %lt3A : i32
      %convert_element_type3A = arith.extui %lt3A_38 : i1 to i32
      %cond3A = arith.constant 0 : i32
      %cond3A_39 = arith.cmpi ne, %convert_element_type3A, %cond3A : i32
      scf.if %cond3A_39 {
        %add3A_48 = arith.constant 1 : i32
        %add3A_49 = arith.addi %add3A_22, %add3A_48 : i32
        %mul3A_50 = arith.constant 128 : i32
        %mul3A_51 = arith.muli %add3A_49, %mul3A_50 : i32
        %dma_start3A_52 = tpu.memref_slice %arg5[%mul3A_51] : memref<4096xi32, #tpu.memory_space<vmem>> -> memref<128xi32, #tpu.memory_space<vmem>>
        %dma_start3A_53 = arith.constant 0 : i32
        %dma_start3A_54 = arith.constant 0 : i32
        %dma_start3A_55 = tpu.memref_slice %arg8[%dma_start3A_53, %dma_start3A_54] : memref<4096x128xf32, #tpu.memory_space<vmem_shared>> -> memref<4096x128xf32, #tpu.memory_space<vmem_shared>>
        tpu.enqueue_indirect_dma source(%dma_start3A_55 : memref<4096x128xf32, #tpu.memory_space<vmem_shared>>) target(%arg6 : memref<128x128xf32, #tpu.memory_space<vmem>>) offsets(%dma_start3A_52 : memref<128xi32, #tpu.memory_space<vmem>>) semaphore(%arg9 : memref<!tpu.dma_semaphore, #tpu.memory_space<semaphore_mem>>)
      } else {
      }
      %dma_wait3A_40 = arith.constant 0 : i32
      %dma_wait3A_41 = tpu.memref_slice %arg5[%dma_wait3A_40] : memref<4096xi32, #tpu.memory_space<vmem>> -> memref<128xi32, #tpu.memory_space<vmem>>
      %dma_wait3A_42 = arith.constant 0 : i32
      %dma_wait3A_43 = arith.constant 0 : i32
      %dma_wait3A_44 = tpu.memref_slice %arg8[%dma_wait3A_42, %dma_wait3A_43] : memref<4096x128xf32, #tpu.memory_space<vmem_shared>> -> memref<4096x128xf32, #tpu.memory_space<vmem_shared>>
      tpu.wait_indirect_dma semaphore(%arg10 : memref<!tpu.dma_semaphore, #tpu.memory_space<semaphore_mem>>) src(%dma_wait3A_44 : memref<4096x128xf32, #tpu.memory_space<vmem_shared>>) dst(%arg7 : memref<128x128xf32, #tpu.memory_space<vmem>>)
      %mul3A_45 = arith.constant 128 : i32
      %mul3A_46 = arith.muli %add3A_22, %mul3A_45 : i32
      %add3A_47 = arith.addi %mul3A_2, %mul3A_46 : i32
      "tpu.region"() ({
        %run_scoped3A = tpu.sem_alloc : memref<!tpu.dma_semaphore, #tpu.memory_space<semaphore_mem>>
        %dma_start3A_48 = arith.constant 0 : i32
        %dma_start3A_49 = tpu.memref_slice %arg4[%add3A_47, %dma_start3A_48] : memref<131072x128xf32, #tpu.memory_space<hbm>> -> memref<128x128xf32, #tpu.memory_space<hbm>>
        %dma_start3A_50 = arith.constant 0 : i32
        %dma_start3A_51 = tpu.memref_slice %arg4[%add3A_47, %dma_start3A_50] : memref<131072x128xf32, #tpu.memory_space<hbm>> -> memref<128x128xf32, #tpu.memory_space<hbm>>
        tpu.enqueue_dma source(%arg7 : memref<128x128xf32, #tpu.memory_space<vmem>>) target(%dma_start3A_51 : memref<128x128xf32, #tpu.memory_space<hbm>>) target_semaphore(%run_scoped3A : memref<!tpu.dma_semaphore, #tpu.memory_space<semaphore_mem>>)
        %dma_wait3A_52 = arith.constant 0 : i32
        %dma_wait3A_53 = tpu.memref_slice %arg4[%add3A_47, %dma_wait3A_52] : memref<131072x128xf32, #tpu.memory_space<hbm>> -> memref<128x128xf32, #tpu.memory_space<hbm>>
        %dma_wait3A_54 = arith.constant 0 : i32
        %dma_wait3A_55 = tpu.memref_slice %arg4[%add3A_47, %dma_wait3A_54] : memref<131072x128xf32, #tpu.memory_space<hbm>> -> memref<128x128xf32, #tpu.memory_space<hbm>>
        tpu.wait_dma2 semaphore(%run_scoped3A : memref<!tpu.dma_semaphore, #tpu.memory_space<semaphore_mem>>) src(%arg7 : memref<128x128xf32, #tpu.memory_space<vmem>>) dst(%dma_wait3A_55 : memref<128x128xf32, #tpu.memory_space<hbm>>)
        tpu.yield
      }) : () -> ()
    }
    %scan3A_15 = arith.constant 16 : i32
    return
  }
}

#map = affine_map<(d0, d1) -> (0, 0)>
#map1 = affine_map<(d0, d1) -> (0)>
module attributes {stable_mosaic.version = 14 : i64} {
  func.func @gather_k(%arg0: i32, %arg1: i32, %arg2: memref<4096x128xf32, #tpu.memory_space<hbm>>, %arg3: memref<131072xi32, #tpu.memory_space<hbm>>, %arg4: memref<131072x128xf32, #tpu.memory_space<hbm>>, %arg5: memref<4096xi32, #tpu.memory_space<vmem>>, %arg6: memref<128x128xf32, #tpu.memory_space<vmem>>, %arg7: memref<128x128xf32, #tpu.memory_space<vmem>>, %arg8: memref<4096x128xf32, #tpu.memory_space<vmem_shared>>, %arg9: memref<!tpu.dma_semaphore, #tpu.memory_space<semaphore_mem>>, %arg10: memref<!tpu.dma_semaphore, #tpu.memory_space<semaphore_mem>>) attributes {dimension_semantics = [#tpu.dimension_semantics<core_parallel>, #tpu.dimension_semantics<subcore_parallel>], iteration_bounds = array<i64: 2, 16>, scalar_prefetch = 0 : i64, scratch_operands = 6 : i64, tpu.core_type = #tpu.core_type<sc_vector_subcore>, window_params = [{transform_indices = #map}, {transform_indices = #map1}, {transform_indices = #map}]} {
    %mul3A = arith.constant 2 : i32
    %mul3A_0 = arith.muli %arg1, %mul3A : i32
    %add3A = arith.addi %mul3A_0, %arg0 : i32
    %mul3A_1 = arith.constant 4096 : i32
    %mul3A_2 = arith.muli %add3A, %mul3A_1 : i32
    %mul3A_3 = arith.constant 256 : i32
    %mul3A_4 = arith.muli %arg1, %mul3A_3 : i32
    %mul3A_5 = arith.constant 256 : i32
    %mul3A_6 = arith.muli %arg1, %mul3A_5 : i32
    "tpu.region"() ({
      %run_scoped3A = tpu.sem_alloc : memref<!tpu.dma_semaphore, #tpu.memory_space<semaphore_mem>>
      %dma_start3A_16 = arith.constant 0 : i32
      %dma_start3A_17 = tpu.memref_slice %arg8[%mul3A_6, %dma_start3A_16] : memref<4096x128xf32, #tpu.memory_space<vmem_shared>> -> memref<256x128xf32, #tpu.memory_space<vmem_shared>>
      %dma_start3A_18 = arith.constant 0 : i32
      %dma_start3A_19 = tpu.memref_slice %arg2[%mul3A_4, %dma_start3A_18] : memref<4096x128xf32, #tpu.memory_space<hbm>> -> memref<256x128xf32, #tpu.memory_space<hbm>>
      tpu.enqueue_dma source(%dma_start3A_19 : memref<256x128xf32, #tpu.memory_space<hbm>>) target(%dma_start3A_17 : memref<256x128xf32, #tpu.memory_space<vmem_shared>>) target_semaphore(%run_scoped3A : memref<!tpu.dma_semaphore, #tpu.memory_space<semaphore_mem>>)
      %dma_wait3A = arith.constant 0 : i32
      %dma_wait3A_20 = tpu.memref_slice %arg8[%mul3A_6, %dma_wait3A] : memref<4096x128xf32, #tpu.memory_space<vmem_shared>> -> memref<256x128xf32, #tpu.memory_space<vmem_shared>>
      %dma_wait3A_21 = arith.constant 0 : i32
      %dma_wait3A_22 = tpu.memref_slice %arg2[%mul3A_4, %dma_wait3A_21] : memref<4096x128xf32, #tpu.memory_space<hbm>> -> memref<256x128xf32, #tpu.memory_space<hbm>>
      tpu.wait_dma2 semaphore(%run_scoped3A : memref<!tpu.dma_semaphore, #tpu.memory_space<semaphore_mem>>) src(%dma_wait3A_22 : memref<256x128xf32, #tpu.memory_space<hbm>>) dst(%dma_wait3A_20 : memref<256x128xf32, #tpu.memory_space<vmem_shared>>)
      tpu.yield
    }) : () -> ()
    "tpu.region"() ({
      %run_scoped3A = tpu.sem_alloc : memref<!tpu.dma_semaphore, #tpu.memory_space<semaphore_mem>>
      %dma_start3A_16 = tpu.memref_slice %arg3[%mul3A_2] : memref<131072xi32, #tpu.memory_space<hbm>> -> memref<4096xi32, #tpu.memory_space<hbm>>
      %dma_start3A_17 = tpu.memref_slice %arg3[%mul3A_2] : memref<131072xi32, #tpu.memory_space<hbm>> -> memref<4096xi32, #tpu.memory_space<hbm>>
      tpu.enqueue_dma source(%dma_start3A_17 : memref<4096xi32, #tpu.memory_space<hbm>>) target(%arg5 : memref<4096xi32, #tpu.memory_space<vmem>>) target_semaphore(%run_scoped3A : memref<!tpu.dma_semaphore, #tpu.memory_space<semaphore_mem>>)
      %dma_wait3A = tpu.memref_slice %arg3[%mul3A_2] : memref<131072xi32, #tpu.memory_space<hbm>> -> memref<4096xi32, #tpu.memory_space<hbm>>
      %dma_wait3A_18 = tpu.memref_slice %arg3[%mul3A_2] : memref<131072xi32, #tpu.memory_space<hbm>> -> memref<4096xi32, #tpu.memory_space<hbm>>
      tpu.wait_dma2 semaphore(%run_scoped3A : memref<!tpu.dma_semaphore, #tpu.memory_space<semaphore_mem>>) src(%dma_wait3A_18 : memref<4096xi32, #tpu.memory_space<hbm>>) dst(%arg5 : memref<4096xi32, #tpu.memory_space<vmem>>)
      tpu.yield
    }) : () -> ()
    %barrier3A = arith.constant 0 : index
    tpu.barrier barrier_id(%barrier3A)
    %dma_start3A = arith.constant 0 : i32
    %dma_start3A_7 = tpu.memref_slice %arg5[%dma_start3A] : memref<4096xi32, #tpu.memory_space<vmem>> -> memref<128xi32, #tpu.memory_space<vmem>>
    %dma_start3A_8 = arith.constant 0 : i32
    %dma_start3A_9 = arith.constant 0 : i32
    %dma_start3A_10 = tpu.memref_slice %arg8[%dma_start3A_8, %dma_start3A_9] : memref<4096x128xf32, #tpu.memory_space<vmem_shared>> -> memref<4096x128xf32, #tpu.memory_space<vmem_shared>>
    tpu.enqueue_indirect_dma source(%dma_start3A_10 : memref<4096x128xf32, #tpu.memory_space<vmem_shared>>) target(%arg6 : memref<128x128xf32, #tpu.memory_space<vmem>>) offsets(%dma_start3A_7 : memref<128xi32, #tpu.memory_space<vmem>>) semaphore(%arg9 : memref<!tpu.dma_semaphore, #tpu.memory_space<semaphore_mem>>)
    %scan3A = arith.constant 0 : i32
    %scan3A_11 = arith.constant 0 : i32
    %scan3A_12 = arith.constant 16 : i32
    %scan3A_13 = arith.addi %scan3A_11, %scan3A_12 : i32
    %scan3A_14 = arith.constant 1 : i32
    scf.for %scan3A_16 = %scan3A_11 to %scan3A_13 step %scan3A_14  : i32 {
      %mul3A_17 = arith.constant 2 : i32
      %mul3A_18 = arith.muli %mul3A_17, %scan3A_16 : i32
      %mul3A_19 = arith.constant 2 : i32
      %mul3A_20 = arith.muli %mul3A_19, %scan3A_16 : i32
      %add3A_21 = arith.constant 1 : i32
      %add3A_22 = arith.addi %mul3A_20, %add3A_21 : i32
      %mul3A_23 = arith.constant 128 : i32
      %mul3A_24 = arith.muli %add3A_22, %mul3A_23 : i32
      %dma_start3A_25 = tpu.memref_slice %arg5[%mul3A_24] : memref<4096xi32, #tpu.memory_space<vmem>> -> memref<128xi32, #tpu.memory_space<vmem>>
      %dma_start3A_26 = arith.constant 0 : i32
      %dma_start3A_27 = arith.constant 0 : i32
      %dma_start3A_28 = tpu.memref_slice %arg8[%dma_start3A_26, %dma_start3A_27] : memref<4096x128xf32, #tpu.memory_space<vmem_shared>> -> memref<4096x128xf32, #tpu.memory_space<vmem_shared>>
      tpu.enqueue_indirect_dma source(%dma_start3A_28 : memref<4096x128xf32, #tpu.memory_space<vmem_shared>>) target(%arg7 : memref<128x128xf32, #tpu.memory_space<vmem>>) offsets(%dma_start3A_25 : memref<128xi32, #tpu.memory_space<vmem>>) semaphore(%arg10 : memref<!tpu.dma_semaphore, #tpu.memory_space<semaphore_mem>>)
      %dma_wait3A = arith.constant 0 : i32
      %dma_wait3A_29 = tpu.memref_slice %arg5[%dma_wait3A] : memref<4096xi32, #tpu.memory_space<vmem>> -> memref<128xi32, #tpu.memory_space<vmem>>
      %dma_wait3A_30 = arith.constant 0 : i32
      %dma_wait3A_31 = arith.constant 0 : i32
      %dma_wait3A_32 = tpu.memref_slice %arg8[%dma_wait3A_30, %dma_wait3A_31] : memref<4096x128xf32, #tpu.memory_space<vmem_shared>> -> memref<4096x128xf32, #tpu.memory_space<vmem_shared>>
      tpu.wait_indirect_dma semaphore(%arg9 : memref<!tpu.dma_semaphore, #tpu.memory_space<semaphore_mem>>) src(%dma_wait3A_32 : memref<4096x128xf32, #tpu.memory_space<vmem_shared>>) dst(%arg6 : memref<128x128xf32, #tpu.memory_space<vmem>>)
      %mul3A_33 = arith.constant 128 : i32
      %mul3A_34 = arith.muli %mul3A_18, %mul3A_33 : i32
      %add3A_35 = arith.addi %mul3A_2, %mul3A_34 : i32
      "tpu.region"() ({
        %run_scoped3A = tpu.sem_alloc : memref<!tpu.dma_semaphore, #tpu.memory_space<semaphore_mem>>
        %dma_start3A_48 = arith.constant 0 : i32
        %dma_start3A_49 = tpu.memref_slice %arg4[%add3A_35, %dma_start3A_48] : memref<131072x128xf32, #tpu.memory_space<hbm>> -> memref<128x128xf32, #tpu.memory_space<hbm>>
        %dma_start3A_50 = arith.constant 0 : i32
        %dma_start3A_51 = tpu.memref_slice %arg4[%add3A_35, %dma_start3A_50] : memref<131072x128xf32, #tpu.memory_space<hbm>> -> memref<128x128xf32, #tpu.memory_space<hbm>>
        tpu.enqueue_dma source(%arg6 : memref<128x128xf32, #tpu.memory_space<vmem>>) target(%dma_start3A_51 : memref<128x128xf32, #tpu.memory_space<hbm>>) target_semaphore(%run_scoped3A : memref<!tpu.dma_semaphore, #tpu.memory_space<semaphore_mem>>)
        %dma_wait3A_52 = arith.constant 0 : i32
        %dma_wait3A_53 = tpu.memref_slice %arg4[%add3A_35, %dma_wait3A_52] : memref<131072x128xf32, #tpu.memory_space<hbm>> -> memref<128x128xf32, #tpu.memory_space<hbm>>
        %dma_wait3A_54 = arith.constant 0 : i32
        %dma_wait3A_55 = tpu.memref_slice %arg4[%add3A_35, %dma_wait3A_54] : memref<131072x128xf32, #tpu.memory_space<hbm>> -> memref<128x128xf32, #tpu.memory_space<hbm>>
        tpu.wait_dma2 semaphore(%run_scoped3A : memref<!tpu.dma_semaphore, #tpu.memory_space<semaphore_mem>>) src(%arg6 : memref<128x128xf32, #tpu.memory_space<vmem>>) dst(%dma_wait3A_55 : memref<128x128xf32, #tpu.memory_space<hbm>>)
        tpu.yield
      }) : () -> ()
      %add3A_36 = arith.constant 1 : i32
      %add3A_37 = arith.addi %add3A_22, %add3A_36 : i32
      %lt3A = arith.constant 32 : i32
      %lt3A_38 = arith.cmpi slt, %add3A_37, %lt3A : i32
      %convert_element_type3A = arith.extui %lt3A_38 : i1 to i32
      %cond3A = arith.constant 0 : i32
      %cond3A_39 = arith.cmpi ne, %convert_element_type3A, %cond3A : i32
      scf.if %cond3A_39 {
        %add3A_48 = arith.constant 1 : i32
        %add3A_49 = arith.addi %add3A_22, %add3A_48 : i32
        %mul3A_50 = arith.constant 128 : i32
        %mul3A_51 = arith.muli %add3A_49, %mul3A_50 : i32
        %dma_start3A_52 = tpu.memref_slice %arg5[%mul3A_51] : memref<4096xi32, #tpu.memory_space<vmem>> -> memref<128xi32, #tpu.memory_space<vmem>>
        %dma_start3A_53 = arith.constant 0 : i32
        %dma_start3A_54 = arith.constant 0 : i32
        %dma_start3A_55 = tpu.memref_slice %arg8[%dma_start3A_53, %dma_start3A_54] : memref<4096x128xf32, #tpu.memory_space<vmem_shared>> -> memref<4096x128xf32, #tpu.memory_space<vmem_shared>>
        tpu.enqueue_indirect_dma source(%dma_start3A_55 : memref<4096x128xf32, #tpu.memory_space<vmem_shared>>) target(%arg6 : memref<128x128xf32, #tpu.memory_space<vmem>>) offsets(%dma_start3A_52 : memref<128xi32, #tpu.memory_space<vmem>>) semaphore(%arg9 : memref<!tpu.dma_semaphore, #tpu.memory_space<semaphore_mem>>)
      } else {
      }
      %dma_wait3A_40 = arith.constant 0 : i32
      %dma_wait3A_41 = tpu.memref_slice %arg5[%dma_wait3A_40] : memref<4096xi32, #tpu.memory_space<vmem>> -> memref<128xi32, #tpu.memory_space<vmem>>
      %dma_wait3A_42 = arith.constant 0 : i32
      %dma_wait3A_43 = arith.constant 0 : i32
      %dma_wait3A_44 = tpu.memref_slice %arg8[%dma_wait3A_42, %dma_wait3A_43] : memref<4096x128xf32, #tpu.memory_space<vmem_shared>> -> memref<4096x128xf32, #tpu.memory_space<vmem_shared>>
      tpu.wait_indirect_dma semaphore(%arg10 : memref<!tpu.dma_semaphore, #tpu.memory_space<semaphore_mem>>) src(%dma_wait3A_44 : memref<4096x128xf32, #tpu.memory_space<vmem_shared>>) dst(%arg7 : memref<128x128xf32, #tpu.memory_space<vmem>>)
      %mul3A_45 = arith.constant 128 : i32
      %mul3A_46 = arith.muli %add3A_22, %mul3A_45 : i32
      %add3A_47 = arith.addi %mul3A_2, %mul3A_46 : i32
      "tpu.region"() ({
        %run_scoped3A = tpu.sem_alloc : memref<!tpu.dma_semaphore, #tpu.memory_space<semaphore_mem>>
        %dma_start3A_48 = arith.constant 0 : i32
        %dma_start3A_49 = tpu.memref_slice %arg4[%add3A_47, %dma_start3A_48] : memref<131072x128xf32, #tpu.memory_space<hbm>> -> memref<128x128xf32, #tpu.memory_space<hbm>>
        %dma_start3A_50 = arith.constant 0 : i32
        %dma_start3A_51 = tpu.memref_slice %arg4[%add3A_47, %dma_start3A_50] : memref<131072x128xf32, #tpu.memory_space<hbm>> -> memref<128x128xf32, #tpu.memory_space<hbm>>
        tpu.enqueue_dma source(%arg7 : memref<128x128xf32, #tpu.memory_space<vmem>>) target(%dma_start3A_51 : memref<128x128xf32, #tpu.memory_space<hbm>>) target_semaphore(%run_scoped3A : memref<!tpu.dma_semaphore, #tpu.memory_space<semaphore_mem>>)
        %dma_wait3A_52 = arith.constant 0 : i32
        %dma_wait3A_53 = tpu.memref_slice %arg4[%add3A_47, %dma_wait3A_52] : memref<131072x128xf32, #tpu.memory_space<hbm>> -> memref<128x128xf32, #tpu.memory_space<hbm>>
        %dma_wait3A_54 = arith.constant 0 : i32
        %dma_wait3A_55 = tpu.memref_slice %arg4[%add3A_47, %dma_wait3A_54] : memref<131072x128xf32, #tpu.memory_space<hbm>> -> memref<128x128xf32, #tpu.memory_space<hbm>>
        tpu.wait_dma2 semaphore(%run_scoped3A : memref<!tpu.dma_semaphore, #tpu.memory_space<semaphore_mem>>) src(%arg7 : memref<128x128xf32, #tpu.memory_space<vmem>>) dst(%dma_wait3A_55 : memref<128x128xf32, #tpu.memory_space<hbm>>)
        tpu.yield
      }) : () -> ()
    }
    %scan3A_15 = arith.constant 16 : i32
    return
  }
}

module attributes {stable_mosaic.version = 14 : i64} {
  func.func @_init_body(%arg0: i32, %arg1: memref<1x2000x128xf32, #tpu.memory_space<vmem>>, %arg2: memref<1x48x64xf32, #tpu.memory_space<vmem>>, %arg3: memref<128x128xf32, #tpu.memory_space<vmem>>, %arg4: memref<64x128xf32, #tpu.memory_space<vmem>>, %arg5: memref<2x128xf32, #tpu.memory_space<vmem>>, %arg6: memref<128x128xf32, #tpu.memory_space<vmem>>, %arg7: memref<1x2048x128xf32, #tpu.memory_space<vmem>>, %arg8: memref<1x2048x128xf32, #tpu.memory_space<vmem>>) attributes {dimension_semantics = [#tpu.dimension_semantics<arbitrary>], iteration_bounds = array<i64: 2>, scalar_prefetch = 0 : i64, scratch_operands = 0 : i64, tpu.core_type = #tpu.core_type<tc>, window_params = [{transform_indices = @transform_0, window_bounds = array<i64: 1, 2000, 128>}, {transform_indices = @transform_1, window_bounds = array<i64: 1, 48, 64>}, {pipeline_mode = #tpu.pipeline_mode<synchronous>, transform_indices = @transform_2, window_bounds = array<i64: 128, 128>}, {pipeline_mode = #tpu.pipeline_mode<synchronous>, transform_indices = @transform_3, window_bounds = array<i64: 64, 128>}, {pipeline_mode = #tpu.pipeline_mode<synchronous>, transform_indices = @transform_4, window_bounds = array<i64: 2, 128>}, {pipeline_mode = #tpu.pipeline_mode<synchronous>, transform_indices = @transform_5, window_bounds = array<i64: 128, 128>}, {transform_indices = @transform_6, window_bounds = array<i64: 1, 2048, 128>}, {transform_indices = @transform_7, window_bounds = array<i64: 1, 2048, 128>}]} {
    %get3A = arith.constant 0 : index
    %get3A_0 = arith.constant 0 : index
    %get3A_1 = arith.constant 0 : index
    %get3A_2 = vector.load %arg1[%get3A, %get3A_0, %get3A_1] : memref<1x2000x128xf32, #tpu.memory_space<vmem>>, vector<1x2000x128xf32>
    %get3A_3 = vector.shape_cast %get3A_2 : vector<1x2000x128xf32> to vector<2000x128xf32>
    %get3A_4 = arith.constant 0 : index
    %get3A_5 = arith.constant 0 : index
    %get3A_6 = vector.load %arg3[%get3A_4, %get3A_5] : memref<128x128xf32, #tpu.memory_space<vmem>>, vector<128x128xf32>
    %dot_general3A = arith.constant dense<0.000000e+00> : vector<2000x128xf32>
    %dot_general3A_7 = tpu.matmul %get3A_3, %get3A_6, %dot_general3A {dimension_numbers = #tpu.dot_dimension_numbers<[1], [0], [0], [1], [0, 0, 1, 1], [], []>, transpose_lhs_hint = false} : vector<2000x128xf32>, vector<128x128xf32>, vector<2000x128xf32> -> vector<2000x128xf32>
    %get3A_8 = arith.constant 0 : index
    %get3A_9 = arith.constant 0 : index
    %get3A_10 = vector.load %arg5[%get3A_8, %get3A_9] : memref<2x128xf32, #tpu.memory_space<vmem>>, vector<1x128xf32>
    %get3A_11 = vector.shape_cast %get3A_10 : vector<1x128xf32> to vector<128xf32>
    %broadcast_in_dim3A = vector.shape_cast %get3A_11 : vector<128xf32> to vector<1x128xf32>
    %add3A = vector.broadcast %broadcast_in_dim3A : vector<1x128xf32> to vector<2000x128xf32>
    %add3A_12 = arith.addf %dot_general3A_7, %add3A : vector<2000x128xf32>
    %get3A_13 = arith.constant 0 : index
    %get3A_14 = arith.constant 0 : index
    %get3A_15 = arith.constant 0 : index
    %get3A_16 = vector.load %arg2[%get3A_13, %get3A_14, %get3A_15] : memref<1x48x64xf32, #tpu.memory_space<vmem>>, vector<1x48x64xf32>
    %get3A_17 = vector.shape_cast %get3A_16 : vector<1x48x64xf32> to vector<48x64xf32>
    %get3A_18 = arith.constant 0 : index
    %get3A_19 = arith.constant 0 : index
    %get3A_20 = vector.load %arg4[%get3A_18, %get3A_19] : memref<64x128xf32, #tpu.memory_space<vmem>>, vector<64x128xf32>
    %dot_general3A_21 = arith.constant dense<0.000000e+00> : vector<48x128xf32>
    %dot_general3A_22 = tpu.matmul %get3A_17, %get3A_20, %dot_general3A_21 {dimension_numbers = #tpu.dot_dimension_numbers<[1], [0], [0], [1], [0, 0, 1, 1], [], []>, transpose_lhs_hint = false} : vector<48x64xf32>, vector<64x128xf32>, vector<48x128xf32> -> vector<48x128xf32>
    %get3A_23 = arith.constant 1 : index
    %get3A_24 = arith.constant 0 : index
    %get3A_25 = vector.load %arg5[%get3A_23, %get3A_24] : memref<2x128xf32, #tpu.memory_space<vmem>>, vector<1x128xf32>
    %get3A_26 = vector.shape_cast %get3A_25 : vector<1x128xf32> to vector<128xf32>
    %broadcast_in_dim3A_27 = vector.shape_cast %get3A_26 : vector<128xf32> to vector<1x128xf32>
    %add3A_28 = vector.broadcast %broadcast_in_dim3A_27 : vector<1x128xf32> to vector<48x128xf32>
    %add3A_29 = arith.addf %dot_general3A_22, %add3A_28 : vector<48x128xf32>
    %swap3A = arith.constant 0 : index
    %swap3A_30 = arith.constant 0 : index
    %swap3A_31 = arith.constant 0 : index
    %swap3A_32 = vector.load %arg7[%swap3A, %swap3A_30, %swap3A_31] : memref<1x2048x128xf32, #tpu.memory_space<vmem>>, vector<1x2000x128xf32>
    %swap3A_33 = vector.shape_cast %swap3A_32 : vector<1x2000x128xf32> to vector<2000x128xf32>
    %swap3A_34 = vector.shape_cast %add3A_12 : vector<2000x128xf32> to vector<1x2000x128xf32>
    tpu.vector_store %arg7[%swap3A, %swap3A_30, %swap3A_31], %swap3A_34 {strides = array<i32>} : memref<1x2048x128xf32, #tpu.memory_space<vmem>>, vector<1x2000x128xf32>,
    %swap3A_35 = arith.constant 0 : index
    %swap3A_36 = arith.constant 2000 : index
    %swap3A_37 = arith.constant 0 : index
    %swap3A_38 = vector.load %arg7[%swap3A_35, %swap3A_36, %swap3A_37] : memref<1x2048x128xf32, #tpu.memory_space<vmem>>, vector<1x48x128xf32>
    %swap3A_39 = vector.shape_cast %swap3A_38 : vector<1x48x128xf32> to vector<48x128xf32>
    %swap3A_40 = vector.shape_cast %add3A_29 : vector<48x128xf32> to vector<1x48x128xf32>
    tpu.vector_store %arg7[%swap3A_35, %swap3A_36, %swap3A_37], %swap3A_40 {strides = array<i32>} : memref<1x2048x128xf32, #tpu.memory_space<vmem>>, vector<1x48x128xf32>,
    %get3A_41 = arith.constant 0 : index
    %get3A_42 = arith.constant 0 : index
    %get3A_43 = arith.constant 0 : index
    %get3A_44 = vector.load %arg7[%get3A_41, %get3A_42, %get3A_43] : memref<1x2048x128xf32, #tpu.memory_space<vmem>>, vector<1x2048x128xf32>
    %get3A_45 = vector.shape_cast %get3A_44 : vector<1x2048x128xf32> to vector<2048x128xf32>
    %get3A_46 = arith.constant 0 : index
    %get3A_47 = arith.constant 0 : index
    %get3A_48 = vector.load %arg6[%get3A_46, %get3A_47] : memref<128x128xf32, #tpu.memory_space<vmem>>, vector<128x128xf32>
    %dot_general3A_49 = arith.constant dense<0.000000e+00> : vector<2048x128xf32>
    %dot_general3A_50 = tpu.matmul %get3A_45, %get3A_48, %dot_general3A_49 {dimension_numbers = #tpu.dot_dimension_numbers<[1], [0], [0], [1], [0, 0, 1, 1], [], []>, transpose_lhs_hint = false} : vector<2048x128xf32>, vector<128x128xf32>, vector<2048x128xf32> -> vector<2048x128xf32>
    %swap3A_51 = arith.constant 0 : index
    %swap3A_52 = arith.constant 0 : index
    %swap3A_53 = arith.constant 0 : index
    %swap3A_54 = vector.load %arg8[%swap3A_51, %swap3A_52, %swap3A_53] : memref<1x2048x128xf32, #tpu.memory_space<vmem>>, vector<1x2048x128xf32>
    %swap3A_55 = vector.shape_cast %swap3A_54 : vector<1x2048x128xf32> to vector<2048x128xf32>
    %swap3A_56 = vector.shape_cast %dot_general3A_50 : vector<2048x128xf32> to vector<1x2048x128xf32>
    tpu.vector_store %arg8[%swap3A_51, %swap3A_52, %swap3A_53], %swap3A_56 {strides = array<i32>} : memref<1x2048x128xf32, #tpu.memory_space<vmem>>, vector<1x2048x128xf32>,
    return
  }
  func.func @transform_0(%arg0: i32) -> (i32, i32, i32) {
    %c0_i32 = arith.constant 0 : i32
    %c0_i32_0 = arith.constant 0 : i32
    %c0_i32_1 = arith.constant 0 : i32
    return %arg0, %c0_i32, %c0_i32_0 : i32, i32, i32
  }
  func.func @transform_1(%arg0: i32) -> (i32, i32, i32) {
    %c0_i32 = arith.constant 0 : i32
    %c0_i32_0 = arith.constant 0 : i32
    %c0_i32_1 = arith.constant 0 : i32
    return %arg0, %c0_i32, %c0_i32_0 : i32, i32, i32
  }
  func.func @transform_2(%arg0: i32) -> (i32, i32) {
    %c0_i32 = arith.constant 0 : i32
    %c0_i32_0 = arith.constant 0 : i32
    %c0_i32_1 = arith.constant 0 : i32
    return %c0_i32, %c0_i32_0 : i32, i32
  }
  func.func @transform_3(%arg0: i32) -> (i32, i32) {
    %c0_i32 = arith.constant 0 : i32
    %c0_i32_0 = arith.constant 0 : i32
    %c0_i32_1 = arith.constant 0 : i32
    return %c0_i32, %c0_i32_0 : i32, i32
  }
  func.func @transform_4(%arg0: i32) -> (i32, i32) {
    %c0_i32 = arith.constant 0 : i32
    %c0_i32_0 = arith.constant 0 : i32
    %c0_i32_1 = arith.constant 0 : i32
    return %c0_i32, %c0_i32_0 : i32, i32
  }
  func.func @transform_5(%arg0: i32) -> (i32, i32) {
    %c0_i32 = arith.constant 0 : i32
    %c0_i32_0 = arith.constant 0 : i32
    %c0_i32_1 = arith.constant 0 : i32
    return %c0_i32, %c0_i32_0 : i32, i32
  }
  func.func @transform_6(%arg0: i32) -> (i32, i32, i32) {
    %c0_i32 = arith.constant 0 : i32
    %c0_i32_0 = arith.constant 0 : i32
    %c0_i32_1 = arith.constant 0 : i32
    return %arg0, %c0_i32, %c0_i32_0 : i32, i32, i32
  }
  func.func @transform_7(%arg0: i32) -> (i32, i32, i32) {
    %c0_i32 = arith.constant 0 : i32
    %c0_i32_0 = arith.constant 0 : i32
    %c0_i32_1 = arith.constant 0 : i32
    return %arg0, %c0_i32, %c0_i32_0 : i32, i32, i32
  }
}

module attributes {stable_mosaic.version = 14 : i64} {
  func.func @_layer_body(%arg0: i32, %arg1: i32, %arg2: memref<1x256x128xf32, #tpu.memory_space<vmem>>, %arg3: memref<1x8192x128xf32, #tpu.memory_space<vmem>>, %arg4: memref<1x256x32x128xf32, #tpu.memory_space<vmem>>, %arg5: memref<256x8192xbf16, #tpu.memory_space<vmem>>, %arg6: memref<128x128xf32, #tpu.memory_space<vmem>>, %arg7: memref<128x128xbf16, #tpu.memory_space<vmem>>, %arg8: memref<128x128xbf16, #tpu.memory_space<vmem>>, %arg9: memref<128x128xbf16, #tpu.memory_space<vmem>>, %arg10: memref<128x512xbf16, #tpu.memory_space<vmem>>, %arg11: memref<512x128xbf16, #tpu.memory_space<vmem>>, %arg12: memref<8x128xf32, #tpu.memory_space<vmem>>, %arg13: memref<1x512xf32, #tpu.memory_space<vmem>>, %arg14: memref<128x128xf32, #tpu.memory_space<vmem>>, %arg15: memref<1x256x128xf32, #tpu.memory_space<vmem>>, %arg16: memref<1x256x128xf32, #tpu.memory_space<vmem>>) attributes {dimension_semantics = [#tpu.dimension_semantics<arbitrary>, #tpu.dimension_semantics<arbitrary>], iteration_bounds = array<i64: 2, 8>, scalar_prefetch = 0 : i64, scratch_operands = 0 : i64, tpu.core_type = #tpu.core_type<tc>, window_params = [{transform_indices = @transform_0, window_bounds = array<i64: 1, 256, 128>}, {transform_indices = @transform_1, window_bounds = array<i64: 1, 8192, 128>}, {transform_indices = @transform_2, window_bounds = array<i64: 1, 256, 32, 128>}, {pipeline_mode = #tpu.pipeline_mode<synchronous>, transform_indices = @transform_3, window_bounds = array<i64: 256, 8192>}, {pipeline_mode = #tpu.pipeline_mode<synchronous>, transform_indices = @transform_4, window_bounds = array<i64: 128, 128>}, {pipeline_mode = #tpu.pipeline_mode<synchronous>, transform_indices = @transform_5, window_bounds = array<i64: 128, 128>}, {pipeline_mode = #tpu.pipeline_mode<synchronous>, transform_indices = @transform_6, window_bounds = array<i64: 128, 128>}, {pipeline_mode = #tpu.pipeline_mode<synchronous>, transform_indices = @transform_7, window_bounds = array<i64: 128, 128>}, {pipeline_mode = #tpu.pipeline_mode<synchronous>, transform_indices = @transform_8, window_bounds = array<i64: 128, 512>}, {pipeline_mode = #tpu.pipeline_mode<synchronous>, transform_indices = @transform_9, window_bounds = array<i64: 512, 128>}, {pipeline_mode = #tpu.pipeline_mode<synchronous>, transform_indices = @transform_10, window_bounds = array<i64: 8, 128>}, {pipeline_mode = #tpu.pipeline_mode<synchronous>, transform_indices = @transform_11, window_bounds = array<i64: 1, 512>}, {pipeline_mode = #tpu.pipeline_mode<synchronous>, transform_indices = @transform_12, window_bounds = array<i64: 128, 128>}, {transform_indices = @transform_13, window_bounds = array<i64: 1, 256, 128>}, {transform_indices = @transform_14, window_bounds = array<i64: 1, 256, 128>}]} {
    %get3A = arith.constant 0 : index
    %get3A_0 = arith.constant 0 : index
    %get3A_1 = arith.constant 0 : index
    %get3A_2 = vector.load %arg2[%get3A, %get3A_0, %get3A_1] : memref<1x256x128xf32, #tpu.memory_space<vmem>>, vector<1x256x128xf32>
    %get3A_3 = vector.shape_cast %get3A_2 : vector<1x256x128xf32> to vector<256x128xf32>
    %get3A_4 = arith.constant 0 : index
    %get3A_5 = arith.constant 0 : index
    %get3A_6 = vector.load %arg6[%get3A_4, %get3A_5] : memref<128x128xf32, #tpu.memory_space<vmem>>, vector<128x128xf32>
    %dot_general3A = arith.constant dense<0.000000e+00> : vector<256x128xf32>
    %dot_general3A_7 = tpu.matmul %get3A_3, %get3A_6, %dot_general3A {dimension_numbers = #tpu.dot_dimension_numbers<[1], [0], [0], [1], [0, 0, 1, 1], [], []>, transpose_lhs_hint = false} : vector<256x128xf32>, vector<128x128xf32>, vector<256x128xf32> -> vector<256x128xf32>
    %get3A_8 = arith.constant 0 : index
    %get3A_9 = arith.constant 0 : index
    %get3A_10 = vector.load %arg12[%get3A_8, %get3A_9] : memref<8x128xf32, #tpu.memory_space<vmem>>, vector<1x128xf32>
    %get3A_11 = vector.shape_cast %get3A_10 : vector<1x128xf32> to vector<128xf32>
    %broadcast_in_dim3A = vector.shape_cast %get3A_11 : vector<128xf32> to vector<1x128xf32>
    %add3A = vector.broadcast %broadcast_in_dim3A : vector<1x128xf32> to vector<256x128xf32>
    %add3A_12 = arith.addf %dot_general3A_7, %add3A : vector<256x128xf32>
    %get3A_13 = arith.constant 0 : index
    %get3A_14 = arith.constant 0 : index
    %get3A_15 = arith.constant 0 : index
    %get3A_16 = arith.constant 0 : index
    %get3A_17 = vector.load %arg4[%get3A_13, %get3A_14, %get3A_15, %get3A_16] : memref<1x256x32x128xf32, #tpu.memory_space<vmem>>, vector<1x256x32x128xf32>
    %get3A_18 = vector.shape_cast %get3A_17 : vector<1x256x32x128xf32> to vector<256x32x128xf32>
    %reshape3A = vector.shape_cast %get3A_18 : vector<256x32x128xf32> to vector<8192x128xf32>
    %convert_element_type3A = arith.truncf %reshape3A : vector<8192x128xf32> to vector<8192x128xbf16>
    %get3A_19 = arith.constant 0 : index
    %get3A_20 = arith.constant 0 : index
    %get3A_21 = vector.load %arg7[%get3A_19, %get3A_20] : memref<128x128xbf16, #tpu.memory_space<vmem>>, vector<128x128xbf16>
    %dot_general3A_22 = arith.constant dense<0.000000e+00> : vector<8192x128xf32>
    %dot_general3A_23 = tpu.matmul %convert_element_type3A, %get3A_21, %dot_general3A_22 {dimension_numbers = #tpu.dot_dimension_numbers<[1], [0], [0], [1], [0, 0, 1, 1], [], []>, transpose_lhs_hint = false} : vector<8192x128xbf16>, vector<128x128xbf16>, vector<8192x128xf32> -> vector<8192x128xf32>
    %broadcast_in_dim3A_24 = vector.shape_cast %add3A_12 : vector<256x128xf32> to vector<256x1x128xf32>
    %broadcast_in_dim3A_25 = vector.shape_cast %broadcast_in_dim3A_24 : vector<256x1x128xf32> to vector<256x1x128xf32>
    %broadcast_in_dim3A_26 = vector.broadcast %broadcast_in_dim3A_25 : vector<256x1x128xf32> to vector<256x32x128xf32>
    %reshape3A_27 = vector.shape_cast %broadcast_in_dim3A_26 : vector<256x32x128xf32> to vector<8192x128xf32>
    %add3A_28 = arith.addf %reshape3A_27, %dot_general3A_23 : vector<8192x128xf32>
    %get3A_29 = arith.constant 0 : index
    %get3A_30 = arith.constant 0 : index
    %get3A_31 = arith.constant 0 : index
    %get3A_32 = vector.load %arg3[%get3A_29, %get3A_30, %get3A_31] : memref<1x8192x128xf32, #tpu.memory_space<vmem>>, vector<1x8192x128xf32>
    %get3A_33 = vector.shape_cast %get3A_32 : vector<1x8192x128xf32> to vector<8192x128xf32>
    %add3A_34 = arith.addf %add3A_28, %get3A_33 : vector<8192x128xf32>
    %convert_element_type3A_35 = arith.truncf %add3A_34 : vector<8192x128xf32> to vector<8192x128xbf16>
    %mul3A = arith.mulf %convert_element_type3A_35, %convert_element_type3A_35 : vector<8192x128xbf16>
    %mul3A_36 = arith.constant 3.564450e-02 : bf16
    %mul3A_37 = vector.broadcast %mul3A_36 : bf16 to vector<8192x128xbf16>
    %mul3A_38 = arith.mulf %mul3A_37, %mul3A : vector<8192x128xbf16>
    %add3A_39 = arith.constant 7.968750e-01 : bf16
    %add3A_40 = vector.broadcast %add3A_39 : bf16 to vector<8192x128xbf16>
    %add3A_41 = arith.addf %add3A_40, %mul3A_38 : vector<8192x128xbf16>
    %mul3A_42 = arith.mulf %convert_element_type3A_35, %add3A_41 : vector<8192x128xbf16>
    %tanh3A = math.tanh %mul3A_42 : vector<8192x128xbf16>
    %mul3A_43 = arith.constant 5.000000e-01 : bf16
    %mul3A_44 = vector.broadcast %mul3A_43 : bf16 to vector<8192x128xbf16>
    %mul3A_45 = arith.mulf %mul3A_44, %convert_element_type3A_35 : vector<8192x128xbf16>
    %mul3A_46 = arith.mulf %mul3A_45, %tanh3A : vector<8192x128xbf16>
    %add3A_47 = arith.addf %mul3A_45, %mul3A_46 : vector<8192x128xbf16>
    %get3A_48 = arith.constant 0 : index
    %get3A_49 = arith.constant 0 : index
    %get3A_50 = vector.load %arg8[%get3A_48, %get3A_49] : memref<128x128xbf16, #tpu.memory_space<vmem>>, vector<128x128xbf16>
    %dot_general3A_51 = arith.constant dense<0.000000e+00> : vector<8192x128xf32>
    %dot_general3A_52 = tpu.matmul %add3A_47, %get3A_50, %dot_general3A_51 {dimension_numbers = #tpu.dot_dimension_numbers<[1], [0], [0], [1], [0, 0, 1, 1], [], []>, transpose_lhs_hint = false} : vector<8192x128xbf16>, vector<128x128xbf16>, vector<8192x128xf32> -> vector<8192x128xf32>
    %get3A_53 = arith.constant 2 : index
    %get3A_54 = arith.constant 0 : index
    %get3A_55 = vector.load %arg12[%get3A_53, %get3A_54] : memref<8x128xf32, #tpu.memory_space<vmem>>, vector<1x128xf32>
    %get3A_56 = vector.shape_cast %get3A_55 : vector<1x128xf32> to vector<128xf32>
    %broadcast_in_dim3A_57 = vector.shape_cast %get3A_56 : vector<128xf32> to vector<1x128xf32>
    %add3A_58 = vector.broadcast %broadcast_in_dim3A_57 : vector<1x128xf32> to vector<8192x128xf32>
    %add3A_59 = arith.addf %dot_general3A_52, %add3A_58 : vector<8192x128xf32>
    %convert_element_type3A_60 = arith.truncf %add3A_59 : vector<8192x128xf32> to vector<8192x128xbf16>
    %mul3A_61 = arith.mulf %convert_element_type3A_60, %convert_element_type3A_60 : vector<8192x128xbf16>
    %mul3A_62 = arith.constant 3.564450e-02 : bf16
    %mul3A_63 = vector.broadcast %mul3A_62 : bf16 to vector<8192x128xbf16>
    %mul3A_64 = arith.mulf %mul3A_63, %mul3A_61 : vector<8192x128xbf16>
    %add3A_65 = arith.constant 7.968750e-01 : bf16
    %add3A_66 = vector.broadcast %add3A_65 : bf16 to vector<8192x128xbf16>
    %add3A_67 = arith.addf %add3A_66, %mul3A_64 : vector<8192x128xbf16>
    %mul3A_68 = arith.mulf %convert_element_type3A_60, %add3A_67 : vector<8192x128xbf16>
    %tanh3A_69 = math.tanh %mul3A_68 : vector<8192x128xbf16>
    %mul3A_70 = arith.constant 5.000000e-01 : bf16
    %mul3A_71 = vector.broadcast %mul3A_70 : bf16 to vector<8192x128xbf16>
    %mul3A_72 = arith.mulf %mul3A_71, %convert_element_type3A_60 : vector<8192x128xbf16>
    %mul3A_73 = arith.mulf %mul3A_72, %tanh3A_69 : vector<8192x128xbf16>
    %add3A_74 = arith.addf %mul3A_72, %mul3A_73 : vector<8192x128xbf16>
    %get3A_75 = arith.constant 0 : index
    %get3A_76 = arith.constant 0 : index
    %get3A_77 = vector.load %arg5[%get3A_75, %get3A_76] : memref<256x8192xbf16, #tpu.memory_space<vmem>>, vector<256x8192xbf16>
    %dot_general3A_78 = arith.constant dense<0.000000e+00> : vector<256x128xf32>
    %dot_general3A_79 = tpu.matmul %get3A_77, %add3A_74, %dot_general3A_78 {dimension_numbers = #tpu.dot_dimension_numbers<[1], [0], [0], [1], [0, 0, 1, 1], [], []>, transpose_lhs_hint = false} : vector<256x8192xbf16>, vector<8192x128xbf16>, vector<256x128xf32> -> vector<256x128xf32>
    %convert_element_type3A_80 = arith.truncf %dot_general3A_79 : vector<256x128xf32> to vector<256x128xbf16>
    %get3A_81 = arith.constant 0 : index
    %get3A_82 = arith.constant 0 : index
    %get3A_83 = vector.load %arg9[%get3A_81, %get3A_82] : memref<128x128xbf16, #tpu.memory_space<vmem>>, vector<128x128xbf16>
    %dot_general3A_84 = arith.constant dense<0.000000e+00> : vector<256x128xf32>
    %dot_general3A_85 = tpu.matmul %convert_element_type3A_80, %get3A_83, %dot_general3A_84 {dimension_numbers = #tpu.dot_dimension_numbers<[1], [0], [0], [1], [0, 0, 1, 1], [], []>, transpose_lhs_hint = false} : vector<256x128xbf16>, vector<128x128xbf16>, vector<256x128xf32> -> vector<256x128xf32>
    %mul3A_86 = arith.constant 0.0333333351 : f32
    %mul3A_87 = vector.broadcast %mul3A_86 : f32 to vector<256x128xf32>
    %mul3A_88 = arith.mulf %dot_general3A_85, %mul3A_87 : vector<256x128xf32>
    %get3A_89 = arith.constant 1 : index
    %get3A_90 = arith.constant 0 : index
    %get3A_91 = vector.load %arg12[%get3A_89, %get3A_90] : memref<8x128xf32, #tpu.memory_space<vmem>>, vector<1x128xf32>
    %get3A_92 = vector.shape_cast %get3A_91 : vector<1x128xf32> to vector<128xf32>
    %broadcast_in_dim3A_93 = vector.shape_cast %get3A_92 : vector<128xf32> to vector<1x128xf32>
    %add3A_94 = vector.broadcast %broadcast_in_dim3A_93 : vector<1x128xf32> to vector<256x128xf32>
    %add3A_95 = arith.addf %mul3A_88, %add3A_94 : vector<256x128xf32>
    %add3A_96 = arith.addf %get3A_3, %add3A_95 : vector<256x128xf32>
    %get3A_97 = arith.constant 3 : index
    %get3A_98 = arith.constant 0 : index
    %get3A_99 = vector.load %arg12[%get3A_97, %get3A_98] : memref<8x128xf32, #tpu.memory_space<vmem>>, vector<1x128xf32>
    %get3A_100 = vector.shape_cast %get3A_99 : vector<1x128xf32> to vector<128xf32>
    %get3A_101 = arith.constant 4 : index
    %get3A_102 = arith.constant 0 : index
    %get3A_103 = vector.load %arg12[%get3A_101, %get3A_102] : memref<8x128xf32, #tpu.memory_space<vmem>>, vector<1x128xf32>
    %get3A_104 = vector.shape_cast %get3A_103 : vector<1x128xf32> to vector<128xf32>
    %reduce_sum3A = arith.constant dense<0.000000e+00> : vector<256xf32>
    %reduce_sum3A_105 = vector.multi_reduction <add>, %add3A_96, %reduce_sum3A [1] : vector<256x128xf32> to vector<256xf32>
    %broadcast_in_dim3A_106 = vector.shape_cast %reduce_sum3A_105 : vector<256xf32> to vector<256x1xf32>
    %div3A = arith.constant 1.280000e+02 : f32
    %div3A_107 = vector.broadcast %div3A : f32 to vector<256x1xf32>
    %div3A_108 = arith.divf %broadcast_in_dim3A_106, %div3A_107 : vector<256x1xf32>
    %jit3A = arith.constant 0 : i32
    %reduce_sum3A_109 = arith.constant dense<0.000000e+00> : vector<256xf32>
    %reduce_sum3A_110 = vector.multi_reduction <add>, %add3A_96, %reduce_sum3A_109 [1] : vector<256x128xf32> to vector<256xf32>
    %broadcast_in_dim3A_111 = vector.shape_cast %reduce_sum3A_110 : vector<256xf32> to vector<256x1xf32>
    %div3A_112 = arith.constant 1.280000e+02 : f32
    %div3A_113 = vector.broadcast %div3A_112 : f32 to vector<256x1xf32>
    %div3A_114 = arith.divf %broadcast_in_dim3A_111, %div3A_113 : vector<256x1xf32>
    %sub3A = vector.broadcast %div3A_114 : vector<256x1xf32> to vector<256x128xf32>
    %sub3A_115 = arith.subf %add3A_96, %sub3A : vector<256x128xf32>
    %square3A = arith.mulf %sub3A_115, %sub3A_115 : vector<256x128xf32>
    %convert_element_type3A_116 = arith.sitofp %jit3A : i32 to f32
    %sub3A_117 = arith.constant 1.280000e+02 : f32
    %sub3A_118 = arith.subf %sub3A_117, %convert_element_type3A_116 : f32
    %reduce_sum3A_119 = arith.constant dense<0.000000e+00> : vector<256xf32>
    %reduce_sum3A_120 = vector.multi_reduction <add>, %square3A, %reduce_sum3A_119 [1] : vector<256x128xf32> to vector<256xf32>
    %broadcast_in_dim3A_121 = vector.shape_cast %reduce_sum3A_120 : vector<256xf32> to vector<256x1xf32>
    %div3A_122 = vector.broadcast %sub3A_118 : f32 to vector<256x1xf32>
    %div3A_123 = arith.divf %broadcast_in_dim3A_121, %div3A_122 : vector<256x1xf32>
    %gt3A = arith.constant 0.000000e+00 : f32
    %gt3A_124 = arith.cmpf ogt, %sub3A_118, %gt3A : f32
    %jit3A_125 = arith.constant 0x7FC00000 : f32
    %broadcast_in_dim3A_126 = vector.broadcast %jit3A_125 : f32 to vector<256x1xf32>
    %select_n3A = arith.select %gt3A_124, %div3A_123, %broadcast_in_dim3A_126 : vector<256x1xf32>
    %sub3A_127 = vector.broadcast %div3A_108 : vector<256x1xf32> to vector<256x128xf32>
    %sub3A_128 = arith.subf %add3A_96, %sub3A_127 : vector<256x128xf32>
    %add3A_129 = arith.constant 9.99999974E-6 : f32
    %add3A_130 = vector.broadcast %add3A_129 : f32 to vector<256x1xf32>
    %add3A_131 = arith.addf %select_n3A, %add3A_130 : vector<256x1xf32>
    %sqrt3A = math.sqrt %add3A_131 : vector<256x1xf32>
    %div3A_132 = vector.broadcast %sqrt3A : vector<256x1xf32> to vector<256x128xf32>
    %div3A_133 = arith.divf %sub3A_128, %div3A_132 : vector<256x128xf32>
    %broadcast_in_dim3A_134 = vector.shape_cast %get3A_100 : vector<128xf32> to vector<1x128xf32>
    %mul3A_135 = vector.broadcast %broadcast_in_dim3A_134 : vector<1x128xf32> to vector<256x128xf32>
    %mul3A_136 = arith.mulf %div3A_133, %mul3A_135 : vector<256x128xf32>
    %broadcast_in_dim3A_137 = vector.shape_cast %get3A_104 : vector<128xf32> to vector<1x128xf32>
    %add3A_138 = vector.broadcast %broadcast_in_dim3A_137 : vector<1x128xf32> to vector<256x128xf32>
    %add3A_139 = arith.addf %mul3A_136, %add3A_138 : vector<256x128xf32>
    %convert_element_type3A_140 = arith.truncf %add3A_139 : vector<256x128xf32> to vector<256x128xbf16>
    %get3A_141 = arith.constant 0 : index
    %get3A_142 = arith.constant 0 : index
    %get3A_143 = vector.load %arg10[%get3A_141, %get3A_142] : memref<128x512xbf16, #tpu.memory_space<vmem>>, vector<128x512xbf16>
    %dot_general3A_144 = arith.constant dense<0.000000e+00> : vector<256x512xf32>
    %dot_general3A_145 = tpu.matmul %convert_element_type3A_140, %get3A_143, %dot_general3A_144 {dimension_numbers = #tpu.dot_dimension_numbers<[1], [0], [0], [1], [0, 0, 1, 1], [], []>, transpose_lhs_hint = false} : vector<256x128xbf16>, vector<128x512xbf16>, vector<256x512xf32> -> vector<256x512xf32>
    %get3A_146 = arith.constant 0 : index
    %get3A_147 = arith.constant 0 : index
    %get3A_148 = vector.load %arg13[%get3A_146, %get3A_147] : memref<1x512xf32, #tpu.memory_space<vmem>>, vector<1x512xf32>
    %get3A_149 = vector.shape_cast %get3A_148 : vector<1x512xf32> to vector<512xf32>
    %broadcast_in_dim3A_150 = vector.shape_cast %get3A_149 : vector<512xf32> to vector<1x512xf32>
    %add3A_151 = vector.broadcast %broadcast_in_dim3A_150 : vector<1x512xf32> to vector<256x512xf32>
    %add3A_152 = arith.addf %dot_general3A_145, %add3A_151 : vector<256x512xf32>
    %convert_element_type3A_153 = arith.truncf %add3A_152 : vector<256x512xf32> to vector<256x512xbf16>
    %mul3A_154 = arith.mulf %convert_element_type3A_153, %convert_element_type3A_153 : vector<256x512xbf16>
    %mul3A_155 = arith.constant 3.564450e-02 : bf16
    %mul3A_156 = vector.broadcast %mul3A_155 : bf16 to vector<256x512xbf16>
    %mul3A_157 = arith.mulf %mul3A_156, %mul3A_154 : vector<256x512xbf16>
    %add3A_158 = arith.constant 7.968750e-01 : bf16
    %add3A_159 = vector.broadcast %add3A_158 : bf16 to vector<256x512xbf16>
    %add3A_160 = arith.addf %add3A_159, %mul3A_157 : vector<256x512xbf16>
    %mul3A_161 = arith.mulf %convert_element_type3A_153, %add3A_160 : vector<256x512xbf16>
    %tanh3A_162 = math.tanh %mul3A_161 : vector<256x512xbf16>
    %mul3A_163 = arith.constant 5.000000e-01 : bf16
    %mul3A_164 = vector.broadcast %mul3A_163 : bf16 to vector<256x512xbf16>
    %mul3A_165 = arith.mulf %mul3A_164, %convert_element_type3A_153 : vector<256x512xbf16>
    %mul3A_166 = arith.mulf %mul3A_165, %tanh3A_162 : vector<256x512xbf16>
    %add3A_167 = arith.addf %mul3A_165, %mul3A_166 : vector<256x512xbf16>
    %get3A_168 = arith.constant 0 : index
    %get3A_169 = arith.constant 0 : index
    %get3A_170 = vector.load %arg11[%get3A_168, %get3A_169] : memref<512x128xbf16, #tpu.memory_space<vmem>>, vector<512x128xbf16>
    %dot_general3A_171 = arith.constant dense<0.000000e+00> : vector<256x128xf32>
    %dot_general3A_172 = tpu.matmul %add3A_167, %get3A_170, %dot_general3A_171 {dimension_numbers = #tpu.dot_dimension_numbers<[1], [0], [0], [1], [0, 0, 1, 1], [], []>, transpose_lhs_hint = false} : vector<256x512xbf16>, vector<512x128xbf16>, vector<256x128xf32> -> vector<256x128xf32>
    %get3A_173 = arith.constant 5 : index
    %get3A_174 = arith.constant 0 : index
    %get3A_175 = vector.load %arg12[%get3A_173, %get3A_174] : memref<8x128xf32, #tpu.memory_space<vmem>>, vector<1x128xf32>
    %get3A_176 = vector.shape_cast %get3A_175 : vector<1x128xf32> to vector<128xf32>
    %broadcast_in_dim3A_177 = vector.shape_cast %get3A_176 : vector<128xf32> to vector<1x128xf32>
    %add3A_178 = vector.broadcast %broadcast_in_dim3A_177 : vector<1x128xf32> to vector<256x128xf32>
    %add3A_179 = arith.addf %dot_general3A_172, %add3A_178 : vector<256x128xf32>
    %add3A_180 = arith.addf %add3A_139, %add3A_179 : vector<256x128xf32>
    %get3A_181 = arith.constant 6 : index
    %get3A_182 = arith.constant 0 : index
    %get3A_183 = vector.load %arg12[%get3A_181, %get3A_182] : memref<8x128xf32, #tpu.memory_space<vmem>>, vector<1x128xf32>
    %get3A_184 = vector.shape_cast %get3A_183 : vector<1x128xf32> to vector<128xf32>
    %get3A_185 = arith.constant 7 : index
    %get3A_186 = arith.constant 0 : index
    %get3A_187 = vector.load %arg12[%get3A_185, %get3A_186] : memref<8x128xf32, #tpu.memory_space<vmem>>, vector<1x128xf32>
    %get3A_188 = vector.shape_cast %get3A_187 : vector<1x128xf32> to vector<128xf32>
    %reduce_sum3A_189 = arith.constant dense<0.000000e+00> : vector<256xf32>
    %reduce_sum3A_190 = vector.multi_reduction <add>, %add3A_180, %reduce_sum3A_189 [1] : vector<256x128xf32> to vector<256xf32>
    %broadcast_in_dim3A_191 = vector.shape_cast %reduce_sum3A_190 : vector<256xf32> to vector<256x1xf32>
    %div3A_192 = arith.constant 1.280000e+02 : f32
    %div3A_193 = vector.broadcast %div3A_192 : f32 to vector<256x1xf32>
    %div3A_194 = arith.divf %broadcast_in_dim3A_191, %div3A_193 : vector<256x1xf32>
    %jit3A_195 = arith.constant 0 : i32
    %reduce_sum3A_196 = arith.constant dense<0.000000e+00> : vector<256xf32>
    %reduce_sum3A_197 = vector.multi_reduction <add>, %add3A_180, %reduce_sum3A_196 [1] : vector<256x128xf32> to vector<256xf32>
    %broadcast_in_dim3A_198 = vector.shape_cast %reduce_sum3A_197 : vector<256xf32> to vector<256x1xf32>
    %div3A_199 = arith.constant 1.280000e+02 : f32
    %div3A_200 = vector.broadcast %div3A_199 : f32 to vector<256x1xf32>
    %div3A_201 = arith.divf %broadcast_in_dim3A_198, %div3A_200 : vector<256x1xf32>
    %sub3A_202 = vector.broadcast %div3A_201 : vector<256x1xf32> to vector<256x128xf32>
    %sub3A_203 = arith.subf %add3A_180, %sub3A_202 : vector<256x128xf32>
    %square3A_204 = arith.mulf %sub3A_203, %sub3A_203 : vector<256x128xf32>
    %convert_element_type3A_205 = arith.sitofp %jit3A_195 : i32 to f32
    %sub3A_206 = arith.constant 1.280000e+02 : f32
    %sub3A_207 = arith.subf %sub3A_206, %convert_element_type3A_205 : f32
    %reduce_sum3A_208 = arith.constant dense<0.000000e+00> : vector<256xf32>
    %reduce_sum3A_209 = vector.multi_reduction <add>, %square3A_204, %reduce_sum3A_208 [1] : vector<256x128xf32> to vector<256xf32>
    %broadcast_in_dim3A_210 = vector.shape_cast %reduce_sum3A_209 : vector<256xf32> to vector<256x1xf32>
    %div3A_211 = vector.broadcast %sub3A_207 : f32 to vector<256x1xf32>
    %div3A_212 = arith.divf %broadcast_in_dim3A_210, %div3A_211 : vector<256x1xf32>
    %gt3A_213 = arith.constant 0.000000e+00 : f32
    %gt3A_214 = arith.cmpf ogt, %sub3A_207, %gt3A_213 : f32
    %jit3A_215 = arith.constant 0x7FC00000 : f32
    %broadcast_in_dim3A_216 = vector.broadcast %jit3A_215 : f32 to vector<256x1xf32>
    %select_n3A_217 = arith.select %gt3A_214, %div3A_212, %broadcast_in_dim3A_216 : vector<256x1xf32>
    %sub3A_218 = vector.broadcast %div3A_194 : vector<256x1xf32> to vector<256x128xf32>
    %sub3A_219 = arith.subf %add3A_180, %sub3A_218 : vector<256x128xf32>
    %add3A_220 = arith.constant 9.99999974E-6 : f32
    %add3A_221 = vector.broadcast %add3A_220 : f32 to vector<256x1xf32>
    %add3A_222 = arith.addf %select_n3A_217, %add3A_221 : vector<256x1xf32>
    %sqrt3A_223 = math.sqrt %add3A_222 : vector<256x1xf32>
    %div3A_224 = vector.broadcast %sqrt3A_223 : vector<256x1xf32> to vector<256x128xf32>
    %div3A_225 = arith.divf %sub3A_219, %div3A_224 : vector<256x128xf32>
    %broadcast_in_dim3A_226 = vector.shape_cast %get3A_184 : vector<128xf32> to vector<1x128xf32>
    %mul3A_227 = vector.broadcast %broadcast_in_dim3A_226 : vector<1x128xf32> to vector<256x128xf32>
    %mul3A_228 = arith.mulf %div3A_225, %mul3A_227 : vector<256x128xf32>
    %broadcast_in_dim3A_229 = vector.shape_cast %get3A_188 : vector<128xf32> to vector<1x128xf32>
    %add3A_230 = vector.broadcast %broadcast_in_dim3A_229 : vector<1x128xf32> to vector<256x128xf32>
    %add3A_231 = arith.addf %mul3A_228, %add3A_230 : vector<256x128xf32>
    %swap3A = arith.constant 0 : index
    %swap3A_232 = arith.constant 0 : index
    %swap3A_233 = arith.constant 0 : index
    %swap3A_234 = vector.load %arg15[%swap3A, %swap3A_232, %swap3A_233] : memref<1x256x128xf32, #tpu.memory_space<vmem>>, vector<1x256x128xf32>
    %swap3A_235 = vector.shape_cast %swap3A_234 : vector<1x256x128xf32> to vector<256x128xf32>
    %swap3A_236 = vector.shape_cast %add3A_231 : vector<256x128xf32> to vector<1x256x128xf32>
    tpu.vector_store %arg15[%swap3A, %swap3A_232, %swap3A_233], %swap3A_236 {strides = array<i32>} : memref<1x256x128xf32, #tpu.memory_space<vmem>>, vector<1x256x128xf32>,
    %get3A_237 = arith.constant 0 : index
    %get3A_238 = arith.constant 0 : index
    %get3A_239 = vector.load %arg14[%get3A_237, %get3A_238] : memref<128x128xf32, #tpu.memory_space<vmem>>, vector<128x128xf32>
    %dot_general3A_240 = arith.constant dense<0.000000e+00> : vector<256x128xf32>
    %dot_general3A_241 = tpu.matmul %add3A_231, %get3A_239, %dot_general3A_240 {dimension_numbers = #tpu.dot_dimension_numbers<[1], [0], [0], [1], [0, 0, 1, 1], [], []>, transpose_lhs_hint = false} : vector<256x128xf32>, vector<128x128xf32>, vector<256x128xf32> -> vector<256x128xf32>
    %swap3A_242 = arith.constant 0 : index
    %swap3A_243 = arith.constant 0 : index
    %swap3A_244 = arith.constant 0 : index
    %swap3A_245 = vector.load %arg16[%swap3A_242, %swap3A_243, %swap3A_244] : memref<1x256x128xf32, #tpu.memory_space<vmem>>, vector<1x256x128xf32>
    %swap3A_246 = vector.shape_cast %swap3A_245 : vector<1x256x128xf32> to vector<256x128xf32>
    %swap3A_247 = vector.shape_cast %dot_general3A_241 : vector<256x128xf32> to vector<1x256x128xf32>
    tpu.vector_store %arg16[%swap3A_242, %swap3A_243, %swap3A_244], %swap3A_247 {strides = array<i32>} : memref<1x256x128xf32, #tpu.memory_space<vmem>>, vector<1x256x128xf32>,
    return
  }
  func.func @transform_0(%arg0: i32, %arg1: i32) -> (i32, i32, i32) {
    %c0_i32 = arith.constant 0 : i32
    %c0_i32_0 = arith.constant 0 : i32
    return %arg0, %arg1, %c0_i32 : i32, i32, i32
  }
  func.func @transform_1(%arg0: i32, %arg1: i32) -> (i32, i32, i32) {
    %c0_i32 = arith.constant 0 : i32
    %c0_i32_0 = arith.constant 0 : i32
    return %arg0, %arg1, %c0_i32 : i32, i32, i32
  }
  func.func @transform_2(%arg0: i32, %arg1: i32) -> (i32, i32, i32, i32) {
    %c0_i32 = arith.constant 0 : i32
    %c0_i32_0 = arith.constant 0 : i32
    %c0_i32_1 = arith.constant 0 : i32
    return %arg0, %arg1, %c0_i32, %c0_i32_0 : i32, i32, i32, i32
  }
  func.func @transform_3(%arg0: i32, %arg1: i32) -> (i32, i32) {
    %c0_i32 = arith.constant 0 : i32
    %c0_i32_0 = arith.constant 0 : i32
    %c0_i32_1 = arith.constant 0 : i32
    return %c0_i32, %c0_i32_0 : i32, i32
  }
  func.func @transform_4(%arg0: i32, %arg1: i32) -> (i32, i32) {
    %c0_i32 = arith.constant 0 : i32
    %c0_i32_0 = arith.constant 0 : i32
    %c0_i32_1 = arith.constant 0 : i32
    return %c0_i32, %c0_i32_0 : i32, i32
  }
  func.func @transform_5(%arg0: i32, %arg1: i32) -> (i32, i32) {
    %c0_i32 = arith.constant 0 : i32
    %c0_i32_0 = arith.constant 0 : i32
    %c0_i32_1 = arith.constant 0 : i32
    return %c0_i32, %c0_i32_0 : i32, i32
  }
  func.func @transform_6(%arg0: i32, %arg1: i32) -> (i32, i32) {
    %c0_i32 = arith.constant 0 : i32
    %c0_i32_0 = arith.constant 0 : i32
    %c0_i32_1 = arith.constant 0 : i32
    return %c0_i32, %c0_i32_0 : i32, i32
  }
  func.func @transform_7(%arg0: i32, %arg1: i32) -> (i32, i32) {
    %c0_i32 = arith.constant 0 : i32
    %c0_i32_0 = arith.constant 0 : i32
    %c0_i32_1 = arith.constant 0 : i32
    return %c0_i32, %c0_i32_0 : i32, i32
  }
  func.func @transform_8(%arg0: i32, %arg1: i32) -> (i32, i32) {
    %c0_i32 = arith.constant 0 : i32
    %c0_i32_0 = arith.constant 0 : i32
    %c0_i32_1 = arith.constant 0 : i32
    return %c0_i32, %c0_i32_0 : i32, i32
  }
  func.func @transform_9(%arg0: i32, %arg1: i32) -> (i32, i32) {
    %c0_i32 = arith.constant 0 : i32
    %c0_i32_0 = arith.constant 0 : i32
    %c0_i32_1 = arith.constant 0 : i32
    return %c0_i32, %c0_i32_0 : i32, i32
  }
  func.func @transform_10(%arg0: i32, %arg1: i32) -> (i32, i32) {
    %c0_i32 = arith.constant 0 : i32
    %c0_i32_0 = arith.constant 0 : i32
    %c0_i32_1 = arith.constant 0 : i32
    return %c0_i32, %c0_i32_0 : i32, i32
  }
  func.func @transform_11(%arg0: i32, %arg1: i32) -> (i32, i32) {
    %c0_i32 = arith.constant 0 : i32
    %c0_i32_0 = arith.constant 0 : i32
    %c0_i32_1 = arith.constant 0 : i32
    return %c0_i32, %c0_i32_0 : i32, i32
  }
  func.func @transform_12(%arg0: i32, %arg1: i32) -> (i32, i32) {
    %c0_i32 = arith.constant 0 : i32
    %c0_i32_0 = arith.constant 0 : i32
    %c0_i32_1 = arith.constant 0 : i32
    return %c0_i32, %c0_i32_0 : i32, i32
  }
  func.func @transform_13(%arg0: i32, %arg1: i32) -> (i32, i32, i32) {
    %c0_i32 = arith.constant 0 : i32
    %c0_i32_0 = arith.constant 0 : i32
    return %arg0, %arg1, %c0_i32 : i32, i32, i32
  }
  func.func @transform_14(%arg0: i32, %arg1: i32) -> (i32, i32, i32) {
    %c0_i32 = arith.constant 0 : i32
    %c0_i32_0 = arith.constant 0 : i32
    return %arg0, %arg1, %c0_i32 : i32, i32, i32
  }
}

module attributes {stable_mosaic.version = 14 : i64} {
  func.func @_last_body(%arg0: i32, %arg1: i32, %arg2: memref<1x256x128xf32, #tpu.memory_space<vmem>>, %arg3: memref<1x8192x128xf32, #tpu.memory_space<vmem>>, %arg4: memref<1x256x32x128xf32, #tpu.memory_space<vmem>>, %arg5: memref<256x8192xbf16, #tpu.memory_space<vmem>>, %arg6: memref<128x128xf32, #tpu.memory_space<vmem>>, %arg7: memref<128x128xbf16, #tpu.memory_space<vmem>>, %arg8: memref<128x128xbf16, #tpu.memory_space<vmem>>, %arg9: memref<128x128xbf16, #tpu.memory_space<vmem>>, %arg10: memref<128x512xbf16, #tpu.memory_space<vmem>>, %arg11: memref<512x128xbf16, #tpu.memory_space<vmem>>, %arg12: memref<8x128xf32, #tpu.memory_space<vmem>>, %arg13: memref<1x512xf32, #tpu.memory_space<vmem>>, %arg14: memref<1x1x1x256xi32, #tpu.memory_space<vmem>>, %arg15: memref<32x128xf32, #tpu.memory_space<vmem>>, %arg16: memref<256x1280xbf16, #tpu.memory_space<vmem>>, %arg17: memref<1x1280xf32, #tpu.memory_space<vmem>>, %arg18: memref<1x256x128xf32, #tpu.memory_space<vmem>>, %arg19: memref<1x256x128xf32, #tpu.memory_space<vmem>>, %arg20: memref<1x256x256xf32, #tpu.memory_space<vmem>>, %arg21: memref<1x256x1280xf32, #tpu.memory_space<vmem>>) attributes {dimension_semantics = [#tpu.dimension_semantics<arbitrary>, #tpu.dimension_semantics<arbitrary>], iteration_bounds = array<i64: 2, 8>, scalar_prefetch = 0 : i64, scratch_operands = 0 : i64, tpu.core_type = #tpu.core_type<tc>, window_params = [{transform_indices = @transform_0, window_bounds = array<i64: 1, 256, 128>}, {transform_indices = @transform_1, window_bounds = array<i64: 1, 8192, 128>}, {transform_indices = @transform_2, window_bounds = array<i64: 1, 256, 32, 128>}, {pipeline_mode = #tpu.pipeline_mode<synchronous>, transform_indices = @transform_3, window_bounds = array<i64: 256, 8192>}, {pipeline_mode = #tpu.pipeline_mode<synchronous>, transform_indices = @transform_4, window_bounds = array<i64: 128, 128>}, {pipeline_mode = #tpu.pipeline_mode<synchronous>, transform_indices = @transform_5, window_bounds = array<i64: 128, 128>}, {pipeline_mode = #tpu.pipeline_mode<synchronous>, transform_indices = @transform_6, window_bounds = array<i64: 128, 128>}, {pipeline_mode = #tpu.pipeline_mode<synchronous>, transform_indices = @transform_7, window_bounds = array<i64: 128, 128>}, {pipeline_mode = #tpu.pipeline_mode<synchronous>, transform_indices = @transform_8, window_bounds = array<i64: 128, 512>}, {pipeline_mode = #tpu.pipeline_mode<synchronous>, transform_indices = @transform_9, window_bounds = array<i64: 512, 128>}, {pipeline_mode = #tpu.pipeline_mode<synchronous>, transform_indices = @transform_10, window_bounds = array<i64: 8, 128>}, {pipeline_mode = #tpu.pipeline_mode<synchronous>, transform_indices = @transform_11, window_bounds = array<i64: 1, 512>}, {transform_indices = @transform_12, window_bounds = array<i64: 1, 1, 1, 256>}, {pipeline_mode = #tpu.pipeline_mode<synchronous>, transform_indices = @transform_13, window_bounds = array<i64: 32, 128>}, {pipeline_mode = #tpu.pipeline_mode<synchronous>, transform_indices = @transform_14, window_bounds = array<i64: 256, 1280>}, {pipeline_mode = #tpu.pipeline_mode<synchronous>, transform_indices = @transform_15, window_bounds = array<i64: 1, 1280>}, {transform_indices = @transform_16, window_bounds = array<i64: 1, 256, 128>}, {transform_indices = @transform_17, window_bounds = array<i64: 1, 256, 128>}, {transform_indices = @transform_18, window_bounds = array<i64: 1, 256, 256>}, {transform_indices = @transform_19, window_bounds = array<i64: 1, 256, 1280>}]} {
    %get3A = arith.constant 0 : index
    %get3A_0 = arith.constant 0 : index
    %get3A_1 = arith.constant 0 : index
    %get3A_2 = vector.load %arg2[%get3A, %get3A_0, %get3A_1] : memref<1x256x128xf32, #tpu.memory_space<vmem>>, vector<1x256x128xf32>
    %get3A_3 = vector.shape_cast %get3A_2 : vector<1x256x128xf32> to vector<256x128xf32>
    %get3A_4 = arith.constant 0 : index
    %get3A_5 = arith.constant 0 : index
    %get3A_6 = vector.load %arg6[%get3A_4, %get3A_5] : memref<128x128xf32, #tpu.memory_space<vmem>>, vector<128x128xf32>
    %dot_general3A = arith.constant dense<0.000000e+00> : vector<256x128xf32>
    %dot_general3A_7 = tpu.matmul %get3A_3, %get3A_6, %dot_general3A {dimension_numbers = #tpu.dot_dimension_numbers<[1], [0], [0], [1], [0, 0, 1, 1], [], []>, transpose_lhs_hint = false} : vector<256x128xf32>, vector<128x128xf32>, vector<256x128xf32> -> vector<256x128xf32>
    %get3A_8 = arith.constant 0 : index
    %get3A_9 = arith.constant 0 : index
    %get3A_10 = vector.load %arg12[%get3A_8, %get3A_9] : memref<8x128xf32, #tpu.memory_space<vmem>>, vector<1x128xf32>
    %get3A_11 = vector.shape_cast %get3A_10 : vector<1x128xf32> to vector<128xf32>
    %broadcast_in_dim3A = vector.shape_cast %get3A_11 : vector<128xf32> to vector<1x128xf32>
    %add3A = vector.broadcast %broadcast_in_dim3A : vector<1x128xf32> to vector<256x128xf32>
    %add3A_12 = arith.addf %dot_general3A_7, %add3A : vector<256x128xf32>
    %get3A_13 = arith.constant 0 : index
    %get3A_14 = arith.constant 0 : index
    %get3A_15 = arith.constant 0 : index
    %get3A_16 = arith.constant 0 : index
    %get3A_17 = vector.load %arg4[%get3A_13, %get3A_14, %get3A_15, %get3A_16] : memref<1x256x32x128xf32, #tpu.memory_space<vmem>>, vector<1x256x32x128xf32>
    %get3A_18 = vector.shape_cast %get3A_17 : vector<1x256x32x128xf32> to vector<256x32x128xf32>
    %reshape3A = vector.shape_cast %get3A_18 : vector<256x32x128xf32> to vector<8192x128xf32>
    %convert_element_type3A = arith.truncf %reshape3A : vector<8192x128xf32> to vector<8192x128xbf16>
    %get3A_19 = arith.constant 0 : index
    %get3A_20 = arith.constant 0 : index
    %get3A_21 = vector.load %arg7[%get3A_19, %get3A_20] : memref<128x128xbf16, #tpu.memory_space<vmem>>, vector<128x128xbf16>
    %dot_general3A_22 = arith.constant dense<0.000000e+00> : vector<8192x128xf32>
    %dot_general3A_23 = tpu.matmul %convert_element_type3A, %get3A_21, %dot_general3A_22 {dimension_numbers = #tpu.dot_dimension_numbers<[1], [0], [0], [1], [0, 0, 1, 1], [], []>, transpose_lhs_hint = false} : vector<8192x128xbf16>, vector<128x128xbf16>, vector<8192x128xf32> -> vector<8192x128xf32>
    %broadcast_in_dim3A_24 = vector.shape_cast %add3A_12 : vector<256x128xf32> to vector<256x1x128xf32>
    %broadcast_in_dim3A_25 = vector.shape_cast %broadcast_in_dim3A_24 : vector<256x1x128xf32> to vector<256x1x128xf32>
    %broadcast_in_dim3A_26 = vector.broadcast %broadcast_in_dim3A_25 : vector<256x1x128xf32> to vector<256x32x128xf32>
    %reshape3A_27 = vector.shape_cast %broadcast_in_dim3A_26 : vector<256x32x128xf32> to vector<8192x128xf32>
    %add3A_28 = arith.addf %reshape3A_27, %dot_general3A_23 : vector<8192x128xf32>
    %get3A_29 = arith.constant 0 : index
    %get3A_30 = arith.constant 0 : index
    %get3A_31 = arith.constant 0 : index
    %get3A_32 = vector.load %arg3[%get3A_29, %get3A_30, %get3A_31] : memref<1x8192x128xf32, #tpu.memory_space<vmem>>, vector<1x8192x128xf32>
    %get3A_33 = vector.shape_cast %get3A_32 : vector<1x8192x128xf32> to vector<8192x128xf32>
    %add3A_34 = arith.addf %add3A_28, %get3A_33 : vector<8192x128xf32>
    %convert_element_type3A_35 = arith.truncf %add3A_34 : vector<8192x128xf32> to vector<8192x128xbf16>
    %mul3A = arith.mulf %convert_element_type3A_35, %convert_element_type3A_35 : vector<8192x128xbf16>
    %mul3A_36 = arith.constant 3.564450e-02 : bf16
    %mul3A_37 = vector.broadcast %mul3A_36 : bf16 to vector<8192x128xbf16>
    %mul3A_38 = arith.mulf %mul3A_37, %mul3A : vector<8192x128xbf16>
    %add3A_39 = arith.constant 7.968750e-01 : bf16
    %add3A_40 = vector.broadcast %add3A_39 : bf16 to vector<8192x128xbf16>
    %add3A_41 = arith.addf %add3A_40, %mul3A_38 : vector<8192x128xbf16>
    %mul3A_42 = arith.mulf %convert_element_type3A_35, %add3A_41 : vector<8192x128xbf16>
    %tanh3A = math.tanh %mul3A_42 : vector<8192x128xbf16>
    %mul3A_43 = arith.constant 5.000000e-01 : bf16
    %mul3A_44 = vector.broadcast %mul3A_43 : bf16 to vector<8192x128xbf16>
    %mul3A_45 = arith.mulf %mul3A_44, %convert_element_type3A_35 : vector<8192x128xbf16>
    %mul3A_46 = arith.mulf %mul3A_45, %tanh3A : vector<8192x128xbf16>
    %add3A_47 = arith.addf %mul3A_45, %mul3A_46 : vector<8192x128xbf16>
    %get3A_48 = arith.constant 0 : index
    %get3A_49 = arith.constant 0 : index
    %get3A_50 = vector.load %arg8[%get3A_48, %get3A_49] : memref<128x128xbf16, #tpu.memory_space<vmem>>, vector<128x128xbf16>
    %dot_general3A_51 = arith.constant dense<0.000000e+00> : vector<8192x128xf32>
    %dot_general3A_52 = tpu.matmul %add3A_47, %get3A_50, %dot_general3A_51 {dimension_numbers = #tpu.dot_dimension_numbers<[1], [0], [0], [1], [0, 0, 1, 1], [], []>, transpose_lhs_hint = false} : vector<8192x128xbf16>, vector<128x128xbf16>, vector<8192x128xf32> -> vector<8192x128xf32>
    %get3A_53 = arith.constant 2 : index
    %get3A_54 = arith.constant 0 : index
    %get3A_55 = vector.load %arg12[%get3A_53, %get3A_54] : memref<8x128xf32, #tpu.memory_space<vmem>>, vector<1x128xf32>
    %get3A_56 = vector.shape_cast %get3A_55 : vector<1x128xf32> to vector<128xf32>
    %broadcast_in_dim3A_57 = vector.shape_cast %get3A_56 : vector<128xf32> to vector<1x128xf32>
    %add3A_58 = vector.broadcast %broadcast_in_dim3A_57 : vector<1x128xf32> to vector<8192x128xf32>
    %add3A_59 = arith.addf %dot_general3A_52, %add3A_58 : vector<8192x128xf32>
    %convert_element_type3A_60 = arith.truncf %add3A_59 : vector<8192x128xf32> to vector<8192x128xbf16>
    %mul3A_61 = arith.mulf %convert_element_type3A_60, %convert_element_type3A_60 : vector<8192x128xbf16>
    %mul3A_62 = arith.constant 3.564450e-02 : bf16
    %mul3A_63 = vector.broadcast %mul3A_62 : bf16 to vector<8192x128xbf16>
    %mul3A_64 = arith.mulf %mul3A_63, %mul3A_61 : vector<8192x128xbf16>
    %add3A_65 = arith.constant 7.968750e-01 : bf16
    %add3A_66 = vector.broadcast %add3A_65 : bf16 to vector<8192x128xbf16>
    %add3A_67 = arith.addf %add3A_66, %mul3A_64 : vector<8192x128xbf16>
    %mul3A_68 = arith.mulf %convert_element_type3A_60, %add3A_67 : vector<8192x128xbf16>
    %tanh3A_69 = math.tanh %mul3A_68 : vector<8192x128xbf16>
    %mul3A_70 = arith.constant 5.000000e-01 : bf16
    %mul3A_71 = vector.broadcast %mul3A_70 : bf16 to vector<8192x128xbf16>
    %mul3A_72 = arith.mulf %mul3A_71, %convert_element_type3A_60 : vector<8192x128xbf16>
    %mul3A_73 = arith.mulf %mul3A_72, %tanh3A_69 : vector<8192x128xbf16>
    %add3A_74 = arith.addf %mul3A_72, %mul3A_73 : vector<8192x128xbf16>
    %get3A_75 = arith.constant 0 : index
    %get3A_76 = arith.constant 0 : index
    %get3A_77 = vector.load %arg5[%get3A_75, %get3A_76] : memref<256x8192xbf16, #tpu.memory_space<vmem>>, vector<256x8192xbf16>
    %dot_general3A_78 = arith.constant dense<0.000000e+00> : vector<256x128xf32>
    %dot_general3A_79 = tpu.matmul %get3A_77, %add3A_74, %dot_general3A_78 {dimension_numbers = #tpu.dot_dimension_numbers<[1], [0], [0], [1], [0, 0, 1, 1], [], []>, transpose_lhs_hint = false} : vector<256x8192xbf16>, vector<8192x128xbf16>, vector<256x128xf32> -> vector<256x128xf32>
    %convert_element_type3A_80 = arith.truncf %dot_general3A_79 : vector<256x128xf32> to vector<256x128xbf16>
    %get3A_81 = arith.constant 0 : index
    %get3A_82 = arith.constant 0 : index
    %get3A_83 = vector.load %arg9[%get3A_81, %get3A_82] : memref<128x128xbf16, #tpu.memory_space<vmem>>, vector<128x128xbf16>
    %dot_general3A_84 = arith.constant dense<0.000000e+00> : vector<256x128xf32>
    %dot_general3A_85 = tpu.matmul %convert_element_type3A_80, %get3A_83, %dot_general3A_84 {dimension_numbers = #tpu.dot_dimension_numbers<[1], [0], [0], [1], [0, 0, 1, 1], [], []>, transpose_lhs_hint = false} : vector<256x128xbf16>, vector<128x128xbf16>, vector<256x128xf32> -> vector<256x128xf32>
    %mul3A_86 = arith.constant 0.0333333351 : f32
    %mul3A_87 = vector.broadcast %mul3A_86 : f32 to vector<256x128xf32>
    %mul3A_88 = arith.mulf %dot_general3A_85, %mul3A_87 : vector<256x128xf32>
    %get3A_89 = arith.constant 1 : index
    %get3A_90 = arith.constant 0 : index
    %get3A_91 = vector.load %arg12[%get3A_89, %get3A_90] : memref<8x128xf32, #tpu.memory_space<vmem>>, vector<1x128xf32>
    %get3A_92 = vector.shape_cast %get3A_91 : vector<1x128xf32> to vector<128xf32>
    %broadcast_in_dim3A_93 = vector.shape_cast %get3A_92 : vector<128xf32> to vector<1x128xf32>
    %add3A_94 = vector.broadcast %broadcast_in_dim3A_93 : vector<1x128xf32> to vector<256x128xf32>
    %add3A_95 = arith.addf %mul3A_88, %add3A_94 : vector<256x128xf32>
    %add3A_96 = arith.addf %get3A_3, %add3A_95 : vector<256x128xf32>
    %get3A_97 = arith.constant 3 : index
    %get3A_98 = arith.constant 0 : index
    %get3A_99 = vector.load %arg12[%get3A_97, %get3A_98] : memref<8x128xf32, #tpu.memory_space<vmem>>, vector<1x128xf32>
    %get3A_100 = vector.shape_cast %get3A_99 : vector<1x128xf32> to vector<128xf32>
    %get3A_101 = arith.constant 4 : index
    %get3A_102 = arith.constant 0 : index
    %get3A_103 = vector.load %arg12[%get3A_101, %get3A_102] : memref<8x128xf32, #tpu.memory_space<vmem>>, vector<1x128xf32>
    %get3A_104 = vector.shape_cast %get3A_103 : vector<1x128xf32> to vector<128xf32>
    %reduce_sum3A = arith.constant dense<0.000000e+00> : vector<256xf32>
    %reduce_sum3A_105 = vector.multi_reduction <add>, %add3A_96, %reduce_sum3A [1] : vector<256x128xf32> to vector<256xf32>
    %broadcast_in_dim3A_106 = vector.shape_cast %reduce_sum3A_105 : vector<256xf32> to vector<256x1xf32>
    %div3A = arith.constant 1.280000e+02 : f32
    %div3A_107 = vector.broadcast %div3A : f32 to vector<256x1xf32>
    %div3A_108 = arith.divf %broadcast_in_dim3A_106, %div3A_107 : vector<256x1xf32>
    %jit3A = arith.constant 0 : i32
    %reduce_sum3A_109 = arith.constant dense<0.000000e+00> : vector<256xf32>
    %reduce_sum3A_110 = vector.multi_reduction <add>, %add3A_96, %reduce_sum3A_109 [1] : vector<256x128xf32> to vector<256xf32>
    %broadcast_in_dim3A_111 = vector.shape_cast %reduce_sum3A_110 : vector<256xf32> to vector<256x1xf32>
    %div3A_112 = arith.constant 1.280000e+02 : f32
    %div3A_113 = vector.broadcast %div3A_112 : f32 to vector<256x1xf32>
    %div3A_114 = arith.divf %broadcast_in_dim3A_111, %div3A_113 : vector<256x1xf32>
    %sub3A = vector.broadcast %div3A_114 : vector<256x1xf32> to vector<256x128xf32>
    %sub3A_115 = arith.subf %add3A_96, %sub3A : vector<256x128xf32>
    %square3A = arith.mulf %sub3A_115, %sub3A_115 : vector<256x128xf32>
    %convert_element_type3A_116 = arith.sitofp %jit3A : i32 to f32
    %sub3A_117 = arith.constant 1.280000e+02 : f32
    %sub3A_118 = arith.subf %sub3A_117, %convert_element_type3A_116 : f32
    %reduce_sum3A_119 = arith.constant dense<0.000000e+00> : vector<256xf32>
    %reduce_sum3A_120 = vector.multi_reduction <add>, %square3A, %reduce_sum3A_119 [1] : vector<256x128xf32> to vector<256xf32>
    %broadcast_in_dim3A_121 = vector.shape_cast %reduce_sum3A_120 : vector<256xf32> to vector<256x1xf32>
    %div3A_122 = vector.broadcast %sub3A_118 : f32 to vector<256x1xf32>
    %div3A_123 = arith.divf %broadcast_in_dim3A_121, %div3A_122 : vector<256x1xf32>
    %gt3A = arith.constant 0.000000e+00 : f32
    %gt3A_124 = arith.cmpf ogt, %sub3A_118, %gt3A : f32
    %jit3A_125 = arith.constant 0x7FC00000 : f32
    %broadcast_in_dim3A_126 = vector.broadcast %jit3A_125 : f32 to vector<256x1xf32>
    %select_n3A = arith.select %gt3A_124, %div3A_123, %broadcast_in_dim3A_126 : vector<256x1xf32>
    %sub3A_127 = vector.broadcast %div3A_108 : vector<256x1xf32> to vector<256x128xf32>
    %sub3A_128 = arith.subf %add3A_96, %sub3A_127 : vector<256x128xf32>
    %add3A_129 = arith.constant 9.99999974E-6 : f32
    %add3A_130 = vector.broadcast %add3A_129 : f32 to vector<256x1xf32>
    %add3A_131 = arith.addf %select_n3A, %add3A_130 : vector<256x1xf32>
    %sqrt3A = math.sqrt %add3A_131 : vector<256x1xf32>
    %div3A_132 = vector.broadcast %sqrt3A : vector<256x1xf32> to vector<256x128xf32>
    %div3A_133 = arith.divf %sub3A_128, %div3A_132 : vector<256x128xf32>
    %broadcast_in_dim3A_134 = vector.shape_cast %get3A_100 : vector<128xf32> to vector<1x128xf32>
    %mul3A_135 = vector.broadcast %broadcast_in_dim3A_134 : vector<1x128xf32> to vector<256x128xf32>
    %mul3A_136 = arith.mulf %div3A_133, %mul3A_135 : vector<256x128xf32>
    %broadcast_in_dim3A_137 = vector.shape_cast %get3A_104 : vector<128xf32> to vector<1x128xf32>
    %add3A_138 = vector.broadcast %broadcast_in_dim3A_137 : vector<1x128xf32> to vector<256x128xf32>
    %add3A_139 = arith.addf %mul3A_136, %add3A_138 : vector<256x128xf32>
    %convert_element_type3A_140 = arith.truncf %add3A_139 : vector<256x128xf32> to vector<256x128xbf16>
    %get3A_141 = arith.constant 0 : index
    %get3A_142 = arith.constant 0 : index
    %get3A_143 = vector.load %arg10[%get3A_141, %get3A_142] : memref<128x512xbf16, #tpu.memory_space<vmem>>, vector<128x512xbf16>
    %dot_general3A_144 = arith.constant dense<0.000000e+00> : vector<256x512xf32>
    %dot_general3A_145 = tpu.matmul %convert_element_type3A_140, %get3A_143, %dot_general3A_144 {dimension_numbers = #tpu.dot_dimension_numbers<[1], [0], [0], [1], [0, 0, 1, 1], [], []>, transpose_lhs_hint = false} : vector<256x128xbf16>, vector<128x512xbf16>, vector<256x512xf32> -> vector<256x512xf32>
    %get3A_146 = arith.constant 0 : index
    %get3A_147 = arith.constant 0 : index
    %get3A_148 = vector.load %arg13[%get3A_146, %get3A_147] : memref<1x512xf32, #tpu.memory_space<vmem>>, vector<1x512xf32>
    %get3A_149 = vector.shape_cast %get3A_148 : vector<1x512xf32> to vector<512xf32>
    %broadcast_in_dim3A_150 = vector.shape_cast %get3A_149 : vector<512xf32> to vector<1x512xf32>
    %add3A_151 = vector.broadcast %broadcast_in_dim3A_150 : vector<1x512xf32> to vector<256x512xf32>
    %add3A_152 = arith.addf %dot_general3A_145, %add3A_151 : vector<256x512xf32>
    %convert_element_type3A_153 = arith.truncf %add3A_152 : vector<256x512xf32> to vector<256x512xbf16>
    %mul3A_154 = arith.mulf %convert_element_type3A_153, %convert_element_type3A_153 : vector<256x512xbf16>
    %mul3A_155 = arith.constant 3.564450e-02 : bf16
    %mul3A_156 = vector.broadcast %mul3A_155 : bf16 to vector<256x512xbf16>
    %mul3A_157 = arith.mulf %mul3A_156, %mul3A_154 : vector<256x512xbf16>
    %add3A_158 = arith.constant 7.968750e-01 : bf16
    %add3A_159 = vector.broadcast %add3A_158 : bf16 to vector<256x512xbf16>
    %add3A_160 = arith.addf %add3A_159, %mul3A_157 : vector<256x512xbf16>
    %mul3A_161 = arith.mulf %convert_element_type3A_153, %add3A_160 : vector<256x512xbf16>
    %tanh3A_162 = math.tanh %mul3A_161 : vector<256x512xbf16>
    %mul3A_163 = arith.constant 5.000000e-01 : bf16
    %mul3A_164 = vector.broadcast %mul3A_163 : bf16 to vector<256x512xbf16>
    %mul3A_165 = arith.mulf %mul3A_164, %convert_element_type3A_153 : vector<256x512xbf16>
    %mul3A_166 = arith.mulf %mul3A_165, %tanh3A_162 : vector<256x512xbf16>
    %add3A_167 = arith.addf %mul3A_165, %mul3A_166 : vector<256x512xbf16>
    %get3A_168 = arith.constant 0 : index
    %get3A_169 = arith.constant 0 : index
    %get3A_170 = vector.load %arg11[%get3A_168, %get3A_169] : memref<512x128xbf16, #tpu.memory_space<vmem>>, vector<512x128xbf16>
    %dot_general3A_171 = arith.constant dense<0.000000e+00> : vector<256x128xf32>
    %dot_general3A_172 = tpu.matmul %add3A_167, %get3A_170, %dot_general3A_171 {dimension_numbers = #tpu.dot_dimension_numbers<[1], [0], [0], [1], [0, 0, 1, 1], [], []>, transpose_lhs_hint = false} : vector<256x512xbf16>, vector<512x128xbf16>, vector<256x128xf32> -> vector<256x128xf32>
    %get3A_173 = arith.constant 5 : index
    %get3A_174 = arith.constant 0 : index
    %get3A_175 = vector.load %arg12[%get3A_173, %get3A_174] : memref<8x128xf32, #tpu.memory_space<vmem>>, vector<1x128xf32>
    %get3A_176 = vector.shape_cast %get3A_175 : vector<1x128xf32> to vector<128xf32>
    %broadcast_in_dim3A_177 = vector.shape_cast %get3A_176 : vector<128xf32> to vector<1x128xf32>
    %add3A_178 = vector.broadcast %broadcast_in_dim3A_177 : vector<1x128xf32> to vector<256x128xf32>
    %add3A_179 = arith.addf %dot_general3A_172, %add3A_178 : vector<256x128xf32>
    %add3A_180 = arith.addf %add3A_139, %add3A_179 : vector<256x128xf32>
    %get3A_181 = arith.constant 6 : index
    %get3A_182 = arith.constant 0 : index
    %get3A_183 = vector.load %arg12[%get3A_181, %get3A_182] : memref<8x128xf32, #tpu.memory_space<vmem>>, vector<1x128xf32>
    %get3A_184 = vector.shape_cast %get3A_183 : vector<1x128xf32> to vector<128xf32>
    %get3A_185 = arith.constant 7 : index
    %get3A_186 = arith.constant 0 : index
    %get3A_187 = vector.load %arg12[%get3A_185, %get3A_186] : memref<8x128xf32, #tpu.memory_space<vmem>>, vector<1x128xf32>
    %get3A_188 = vector.shape_cast %get3A_187 : vector<1x128xf32> to vector<128xf32>
    %reduce_sum3A_189 = arith.constant dense<0.000000e+00> : vector<256xf32>
    %reduce_sum3A_190 = vector.multi_reduction <add>, %add3A_180, %reduce_sum3A_189 [1] : vector<256x128xf32> to vector<256xf32>
    %broadcast_in_dim3A_191 = vector.shape_cast %reduce_sum3A_190 : vector<256xf32> to vector<256x1xf32>
    %div3A_192 = arith.constant 1.280000e+02 : f32
    %div3A_193 = vector.broadcast %div3A_192 : f32 to vector<256x1xf32>
    %div3A_194 = arith.divf %broadcast_in_dim3A_191, %div3A_193 : vector<256x1xf32>
    %jit3A_195 = arith.constant 0 : i32
    %reduce_sum3A_196 = arith.constant dense<0.000000e+00> : vector<256xf32>
    %reduce_sum3A_197 = vector.multi_reduction <add>, %add3A_180, %reduce_sum3A_196 [1] : vector<256x128xf32> to vector<256xf32>
    %broadcast_in_dim3A_198 = vector.shape_cast %reduce_sum3A_197 : vector<256xf32> to vector<256x1xf32>
    %div3A_199 = arith.constant 1.280000e+02 : f32
    %div3A_200 = vector.broadcast %div3A_199 : f32 to vector<256x1xf32>
    %div3A_201 = arith.divf %broadcast_in_dim3A_198, %div3A_200 : vector<256x1xf32>
    %sub3A_202 = vector.broadcast %div3A_201 : vector<256x1xf32> to vector<256x128xf32>
    %sub3A_203 = arith.subf %add3A_180, %sub3A_202 : vector<256x128xf32>
    %square3A_204 = arith.mulf %sub3A_203, %sub3A_203 : vector<256x128xf32>
    %convert_element_type3A_205 = arith.sitofp %jit3A_195 : i32 to f32
    %sub3A_206 = arith.constant 1.280000e+02 : f32
    %sub3A_207 = arith.subf %sub3A_206, %convert_element_type3A_205 : f32
    %reduce_sum3A_208 = arith.constant dense<0.000000e+00> : vector<256xf32>
    %reduce_sum3A_209 = vector.multi_reduction <add>, %square3A_204, %reduce_sum3A_208 [1] : vector<256x128xf32> to vector<256xf32>
    %broadcast_in_dim3A_210 = vector.shape_cast %reduce_sum3A_209 : vector<256xf32> to vector<256x1xf32>
    %div3A_211 = vector.broadcast %sub3A_207 : f32 to vector<256x1xf32>
    %div3A_212 = arith.divf %broadcast_in_dim3A_210, %div3A_211 : vector<256x1xf32>
    %gt3A_213 = arith.constant 0.000000e+00 : f32
    %gt3A_214 = arith.cmpf ogt, %sub3A_207, %gt3A_213 : f32
    %jit3A_215 = arith.constant 0x7FC00000 : f32
    %broadcast_in_dim3A_216 = vector.broadcast %jit3A_215 : f32 to vector<256x1xf32>
    %select_n3A_217 = arith.select %gt3A_214, %div3A_212, %broadcast_in_dim3A_216 : vector<256x1xf32>
    %sub3A_218 = vector.broadcast %div3A_194 : vector<256x1xf32> to vector<256x128xf32>
    %sub3A_219 = arith.subf %add3A_180, %sub3A_218 : vector<256x128xf32>
    %add3A_220 = arith.constant 9.99999974E-6 : f32
    %add3A_221 = vector.broadcast %add3A_220 : f32 to vector<256x1xf32>
    %add3A_222 = arith.addf %select_n3A_217, %add3A_221 : vector<256x1xf32>
    %sqrt3A_223 = math.sqrt %add3A_222 : vector<256x1xf32>
    %div3A_224 = vector.broadcast %sqrt3A_223 : vector<256x1xf32> to vector<256x128xf32>
    %div3A_225 = arith.divf %sub3A_219, %div3A_224 : vector<256x128xf32>
    %broadcast_in_dim3A_226 = vector.shape_cast %get3A_184 : vector<128xf32> to vector<1x128xf32>
    %mul3A_227 = vector.broadcast %broadcast_in_dim3A_226 : vector<1x128xf32> to vector<256x128xf32>
    %mul3A_228 = arith.mulf %div3A_225, %mul3A_227 : vector<256x128xf32>
    %broadcast_in_dim3A_229 = vector.shape_cast %get3A_188 : vector<128xf32> to vector<1x128xf32>
    %add3A_230 = vector.broadcast %broadcast_in_dim3A_229 : vector<1x128xf32> to vector<256x128xf32>
    %add3A_231 = arith.addf %mul3A_228, %add3A_230 : vector<256x128xf32>
    %get3A_232 = arith.constant 0 : index
    %get3A_233 = arith.constant 0 : index
    %get3A_234 = arith.constant 0 : index
    %get3A_235 = arith.constant 0 : index
    %get3A_236 = vector.load %arg14[%get3A_232, %get3A_233, %get3A_234, %get3A_235] : memref<1x1x1x256xi32, #tpu.memory_space<vmem>>, vector<1x1x1x256xi32>
    %get3A_237 = vector.shape_cast %get3A_236 : vector<1x1x1x256xi32> to vector<256xi32>
    %iota3A = tpu.iota {dimensions = array<i32: 1>} : vector<256x32xi32>
    %broadcast_in_dim3A_238 = vector.shape_cast %get3A_237 : vector<256xi32> to vector<256x1xi32>
    %eq3A = vector.broadcast %broadcast_in_dim3A_238 : vector<256x1xi32> to vector<256x32xi32>
    %eq3A_239 = arith.cmpi eq, %eq3A, %iota3A : vector<256x32xi32>
    %jit3A_240 = arith.constant 1.000000e+00 : f32
    %jit3A_241 = arith.constant 0.000000e+00 : f32
    %broadcast_in_dim3A_242 = vector.broadcast %jit3A_240 : f32 to vector<256x32xf32>
    %broadcast_in_dim3A_243 = vector.broadcast %jit3A_241 : f32 to vector<256x32xf32>
    %select_n3A_244 = arith.select %eq3A_239, %broadcast_in_dim3A_242, %broadcast_in_dim3A_243 : vector<256x32xi1>, vector<256x32xf32>
    %get3A_245 = arith.constant 0 : index
    %get3A_246 = arith.constant 0 : index
    %get3A_247 = vector.load %arg15[%get3A_245, %get3A_246] : memref<32x128xf32, #tpu.memory_space<vmem>>, vector<32x128xf32>
    %dot_general3A_248 = arith.constant dense<0.000000e+00> : vector<256x128xf32>
    %dot_general3A_249 = tpu.matmul %select_n3A_244, %get3A_247, %dot_general3A_248 {dimension_numbers = #tpu.dot_dimension_numbers<[1], [0], [0], [1], [0, 0, 1, 1], [], []>, transpose_lhs_hint = false} : vector<256x32xf32>, vector<32x128xf32>, vector<256x128xf32> -> vector<256x128xf32>
    %convert_element_type3A_250 = arith.truncf %add3A_231 : vector<256x128xf32> to vector<256x128xbf16>
    %get3A_251 = arith.constant 0 : index
    %get3A_252 = arith.constant 0 : index
    %get3A_253 = vector.load %arg16[%get3A_251, %get3A_252] : memref<256x1280xbf16, #tpu.memory_space<vmem>>, vector<128x1280xbf16>
    %dot_general3A_254 = arith.constant dense<0.000000e+00> : vector<256x1280xf32>
    %dot_general3A_255 = tpu.matmul %convert_element_type3A_250, %get3A_253, %dot_general3A_254 {dimension_numbers = #tpu.dot_dimension_numbers<[1], [0], [0], [1], [0, 0, 1, 1], [], []>, transpose_lhs_hint = false} : vector<256x128xbf16>, vector<128x1280xbf16>, vector<256x1280xf32> -> vector<256x1280xf32>
    %convert_element_type3A_256 = arith.truncf %dot_general3A_249 : vector<256x128xf32> to vector<256x128xbf16>
    %get3A_257 = arith.constant 128 : index
    %get3A_258 = arith.constant 0 : index
    %get3A_259 = vector.load %arg16[%get3A_257, %get3A_258] : memref<256x1280xbf16, #tpu.memory_space<vmem>>, vector<128x1280xbf16>
    %dot_general3A_260 = arith.constant dense<0.000000e+00> : vector<256x1280xf32>
    %dot_general3A_261 = tpu.matmul %convert_element_type3A_256, %get3A_259, %dot_general3A_260 {dimension_numbers = #tpu.dot_dimension_numbers<[1], [0], [0], [1], [0, 0, 1, 1], [], []>, transpose_lhs_hint = false} : vector<256x128xbf16>, vector<128x1280xbf16>, vector<256x1280xf32> -> vector<256x1280xf32>
    %add3A_262 = arith.addf %dot_general3A_255, %dot_general3A_261 : vector<256x1280xf32>
    %get3A_263 = arith.constant 0 : index
    %get3A_264 = arith.constant 0 : index
    %get3A_265 = vector.load %arg17[%get3A_263, %get3A_264] : memref<1x1280xf32, #tpu.memory_space<vmem>>, vector<1x1280xf32>
    %get3A_266 = vector.shape_cast %get3A_265 : vector<1x1280xf32> to vector<1280xf32>
    %broadcast_in_dim3A_267 = vector.shape_cast %get3A_266 : vector<1280xf32> to vector<1x1280xf32>
    %add3A_268 = vector.broadcast %broadcast_in_dim3A_267 : vector<1x1280xf32> to vector<256x1280xf32>
    %add3A_269 = arith.addf %add3A_262, %add3A_268 : vector<256x1280xf32>
    %swap3A = arith.constant 0 : index
    %swap3A_270 = arith.constant 0 : index
    %swap3A_271 = arith.constant 0 : index
    %swap3A_272 = vector.load %arg18[%swap3A, %swap3A_270, %swap3A_271] : memref<1x256x128xf32, #tpu.memory_space<vmem>>, vector<1x256x128xf32>
    %swap3A_273 = vector.shape_cast %swap3A_272 : vector<1x256x128xf32> to vector<256x128xf32>
    %swap3A_274 = vector.shape_cast %add3A_231 : vector<256x128xf32> to vector<1x256x128xf32>
    tpu.vector_store %arg18[%swap3A, %swap3A_270, %swap3A_271], %swap3A_274 {strides = array<i32>} : memref<1x256x128xf32, #tpu.memory_space<vmem>>, vector<1x256x128xf32>,
    %swap3A_275 = arith.constant 0 : index
    %swap3A_276 = arith.constant 0 : index
    %swap3A_277 = arith.constant 0 : index
    %swap3A_278 = vector.load %arg19[%swap3A_275, %swap3A_276, %swap3A_277] : memref<1x256x128xf32, #tpu.memory_space<vmem>>, vector<1x256x128xf32>
    %swap3A_279 = vector.shape_cast %swap3A_278 : vector<1x256x128xf32> to vector<256x128xf32>
    %swap3A_280 = vector.shape_cast %dot_general3A_249 : vector<256x128xf32> to vector<1x256x128xf32>
    tpu.vector_store %arg19[%swap3A_275, %swap3A_276, %swap3A_277], %swap3A_280 {strides = array<i32>} : memref<1x256x128xf32, #tpu.memory_space<vmem>>, vector<1x256x128xf32>,
    %swap3A_281 = arith.constant 0 : index
    %swap3A_282 = arith.constant 0 : index
    %swap3A_283 = arith.constant 0 : index
    %swap3A_284 = vector.load %arg20[%swap3A_281, %swap3A_282, %swap3A_283] : memref<1x256x256xf32, #tpu.memory_space<vmem>>, vector<1x256x128xf32>
    %swap3A_285 = vector.shape_cast %swap3A_284 : vector<1x256x128xf32> to vector<256x128xf32>
    %swap3A_286 = vector.shape_cast %add3A_231 : vector<256x128xf32> to vector<1x256x128xf32>
    tpu.vector_store %arg20[%swap3A_281, %swap3A_282, %swap3A_283], %swap3A_286 {strides = array<i32>} : memref<1x256x256xf32, #tpu.memory_space<vmem>>, vector<1x256x128xf32>,
    %swap3A_287 = arith.constant 0 : index
    %swap3A_288 = arith.constant 0 : index
    %swap3A_289 = arith.constant 128 : index
    %swap3A_290 = vector.load %arg20[%swap3A_287, %swap3A_288, %swap3A_289] : memref<1x256x256xf32, #tpu.memory_space<vmem>>, vector<1x256x128xf32>
    %swap3A_291 = vector.shape_cast %swap3A_290 : vector<1x256x128xf32> to vector<256x128xf32>
    %swap3A_292 = vector.shape_cast %dot_general3A_249 : vector<256x128xf32> to vector<1x256x128xf32>
    tpu.vector_store %arg20[%swap3A_287, %swap3A_288, %swap3A_289], %swap3A_292 {strides = array<i32>} : memref<1x256x256xf32, #tpu.memory_space<vmem>>, vector<1x256x128xf32>,
    %swap3A_293 = arith.constant 0 : index
    %swap3A_294 = arith.constant 0 : index
    %swap3A_295 = arith.constant 0 : index
    %swap3A_296 = vector.load %arg21[%swap3A_293, %swap3A_294, %swap3A_295] : memref<1x256x1280xf32, #tpu.memory_space<vmem>>, vector<1x256x1280xf32>
    %swap3A_297 = vector.shape_cast %swap3A_296 : vector<1x256x1280xf32> to vector<256x1280xf32>
    %swap3A_298 = vector.shape_cast %add3A_269 : vector<256x1280xf32> to vector<1x256x1280xf32>
    tpu.vector_store %arg21[%swap3A_293, %swap3A_294, %swap3A_295], %swap3A_298 {strides = array<i32>} : memref<1x256x1280xf32, #tpu.memory_space<vmem>>, vector<1x256x1280xf32>,
    return
  }
  func.func @transform_0(%arg0: i32, %arg1: i32) -> (i32, i32, i32) {
    %c0_i32 = arith.constant 0 : i32
    %c0_i32_0 = arith.constant 0 : i32
    return %arg0, %arg1, %c0_i32 : i32, i32, i32
  }
  func.func @transform_1(%arg0: i32, %arg1: i32) -> (i32, i32, i32) {
    %c0_i32 = arith.constant 0 : i32
    %c0_i32_0 = arith.constant 0 : i32
    return %arg0, %arg1, %c0_i32 : i32, i32, i32
  }
  func.func @transform_2(%arg0: i32, %arg1: i32) -> (i32, i32, i32, i32) {
    %c0_i32 = arith.constant 0 : i32
    %c0_i32_0 = arith.constant 0 : i32
    %c0_i32_1 = arith.constant 0 : i32
    return %arg0, %arg1, %c0_i32, %c0_i32_0 : i32, i32, i32, i32
  }
  func.func @transform_3(%arg0: i32, %arg1: i32) -> (i32, i32) {
    %c0_i32 = arith.constant 0 : i32
    %c0_i32_0 = arith.constant 0 : i32
    %c0_i32_1 = arith.constant 0 : i32
    return %c0_i32, %c0_i32_0 : i32, i32
  }
  func.func @transform_4(%arg0: i32, %arg1: i32) -> (i32, i32) {
    %c0_i32 = arith.constant 0 : i32
    %c0_i32_0 = arith.constant 0 : i32
    %c0_i32_1 = arith.constant 0 : i32
    return %c0_i32, %c0_i32_0 : i32, i32
  }
  func.func @transform_5(%arg0: i32, %arg1: i32) -> (i32, i32) {
    %c0_i32 = arith.constant 0 : i32
    %c0_i32_0 = arith.constant 0 : i32
    %c0_i32_1 = arith.constant 0 : i32
    return %c0_i32, %c0_i32_0 : i32, i32
  }
  func.func @transform_6(%arg0: i32, %arg1: i32) -> (i32, i32) {
    %c0_i32 = arith.constant 0 : i32
    %c0_i32_0 = arith.constant 0 : i32
    %c0_i32_1 = arith.constant 0 : i32
    return %c0_i32, %c0_i32_0 : i32, i32
  }
  func.func @transform_7(%arg0: i32, %arg1: i32) -> (i32, i32) {
    %c0_i32 = arith.constant 0 : i32
    %c0_i32_0 = arith.constant 0 : i32
    %c0_i32_1 = arith.constant 0 : i32
    return %c0_i32, %c0_i32_0 : i32, i32
  }
  func.func @transform_8(%arg0: i32, %arg1: i32) -> (i32, i32) {
    %c0_i32 = arith.constant 0 : i32
    %c0_i32_0 = arith.constant 0 : i32
    %c0_i32_1 = arith.constant 0 : i32
    return %c0_i32, %c0_i32_0 : i32, i32
  }
  func.func @transform_9(%arg0: i32, %arg1: i32) -> (i32, i32) {
    %c0_i32 = arith.constant 0 : i32
    %c0_i32_0 = arith.constant 0 : i32
    %c0_i32_1 = arith.constant 0 : i32
    return %c0_i32, %c0_i32_0 : i32, i32
  }
  func.func @transform_10(%arg0: i32, %arg1: i32) -> (i32, i32) {
    %c0_i32 = arith.constant 0 : i32
    %c0_i32_0 = arith.constant 0 : i32
    %c0_i32_1 = arith.constant 0 : i32
    return %c0_i32, %c0_i32_0 : i32, i32
  }
  func.func @transform_11(%arg0: i32, %arg1: i32) -> (i32, i32) {
    %c0_i32 = arith.constant 0 : i32
    %c0_i32_0 = arith.constant 0 : i32
    %c0_i32_1 = arith.constant 0 : i32
    return %c0_i32, %c0_i32_0 : i32, i32
  }
  func.func @transform_12(%arg0: i32, %arg1: i32) -> (i32, i32, i32, i32) {
    %c0_i32 = arith.constant 0 : i32
    %c0_i32_0 = arith.constant 0 : i32
    %c0_i32_1 = arith.constant 0 : i32
    return %arg0, %arg1, %c0_i32, %c0_i32_0 : i32, i32, i32, i32
  }
  func.func @transform_13(%arg0: i32, %arg1: i32) -> (i32, i32) {
    %c0_i32 = arith.constant 0 : i32
    %c0_i32_0 = arith.constant 0 : i32
    %c0_i32_1 = arith.constant 0 : i32
    return %c0_i32, %c0_i32_0 : i32, i32
  }
  func.func @transform_14(%arg0: i32, %arg1: i32) -> (i32, i32) {
    %c0_i32 = arith.constant 0 : i32
    %c0_i32_0 = arith.constant 0 : i32
    %c0_i32_1 = arith.constant 0 : i32
    return %c0_i32, %c0_i32_0 : i32, i32
  }
  func.func @transform_15(%arg0: i32, %arg1: i32) -> (i32, i32) {
    %c0_i32 = arith.constant 0 : i32
    %c0_i32_0 = arith.constant 0 : i32
    %c0_i32_1 = arith.constant 0 : i32
    return %c0_i32, %c0_i32_0 : i32, i32
  }
  func.func @transform_16(%arg0: i32, %arg1: i32) -> (i32, i32, i32) {
    %c0_i32 = arith.constant 0 : i32
    %c0_i32_0 = arith.constant 0 : i32
    return %arg0, %arg1, %c0_i32 : i32, i32, i32
  }
  func.func @transform_17(%arg0: i32, %arg1: i32) -> (i32, i32, i32) {
    %c0_i32 = arith.constant 0 : i32
    %c0_i32_0 = arith.constant 0 : i32
    return %arg0, %arg1, %c0_i32 : i32, i32, i32
  }
  func.func @transform_18(%arg0: i32, %arg1: i32) -> (i32, i32, i32) {
    %c0_i32 = arith.constant 0 : i32
    %c0_i32_0 = arith.constant 0 : i32
    return %arg0, %arg1, %c0_i32 : i32, i32, i32
  }
  func.func @transform_19(%arg0: i32, %arg1: i32) -> (i32, i32, i32) {
    %c0_i32 = arith.constant 0 : i32
    %c0_i32_0 = arith.constant 0 : i32
    return %arg0, %arg1, %c0_i32 : i32, i32, i32
  }
}

</mosaic_0001>

<sc_bundles>
// kernel: kernel.12.cloned.1.call-start
scs
__scs_entry_jumppad:
0x0: {  	(pc) =	sbr.rel $0x88, $3  }
0x1: {  	(tag) =	ssettag $0x0;
	lr =	simm.s32 $0x1  }
0x2: {  	[smem:$0x3F85] =	sst lr;
	_ =	strace $0xD0000000  }
0x3: {  	_ = 	snop  }
0x4: {  	_ = 	snop  }
0x5: {  	_ = 	snop  }
0x6: {  	_ = 	snop  }
0x7: {  	_ = 	snop  }
__scs_overlays_trampoline_lowered:
0x8: {  	[smem:$0x3F94] =	sst s0  }
0x9: {  	[smem:$0x3F95] =	sst s1  }
0xa: {  	[smem:$0x3F96] =	sst s2  }
0xb: {  	[smem:$0x3F97] =	sst s3  }
0xc: {  	[smem:$0x3F98] =	sst s4  }
0xd: {  	[smem:$0x3F99] =	sst s5  }
0xe: {  	[smem:$0x3F9A] =	sst s6  }
0xf: {  	[smem:$0x3F9B] =	sst s7  }
0x10: {  	[smem:$0x3F9C] =	sst s8  }
0x11: {  	[smem:$0x3F9D] =	sst s9;
	s0 =	simm.s32 @!p0 $0x0  }
0x12: {  	s1 =	sld [smem:$0x3F83];
	s0 =	simm.s32 @p0 $0x1  }
0x13: {  	[smem:$0x3F9E] =	sst s0;
	s0 =	simm.s32 @!p1 $0x0  }
0x14: {  	s2 =	sld [smem:$0x3F82];
	s0 =	simm.s32 @p1 $0x1  }
0x15: {  	[smem:$0x3F9F] =	sst s0;
	s0 =	simm.s32 @!p2 $0x0  }
0x16: {  	s3 =	sld [smem:$0x3FDB];
	s0 =	simm.s32 @p2 $0x1  }
0x17: {  	s4 =	simm.s32 $0x1BF5;
	[smem:$0x3FA1] =	sst s0  }
0x18: {  	s0 =	sld [smem:$0x3F84];
	_ =	swait.ge [sflag:s4], $0x0  }
0x19: {  	s7 =	sld [smem:$0x3F85]  }
0x1a: {  	s8 =	sadd.s32 $0xFFFFE003, lr  }
0x1b: {  	s9 =	sadd.s32 $0xFFFFFEF7, lr;
	s5 =	simm.s32 $0xFFFFFFFF;
	p2 =	slt.u32 s8, $0xFFFFF086  }
0x1c: {  	p1 =	slt.u32 s9, $0xF7A;
	s5 =	simm.s32 @!p2 $0x0  }
0x1d: {  	s5 =	simm.s32 @p1 $0x1;
	p0 =	seq.s32 s7, s2  }
0x1e: {  	s7 =	smul.u32 @!p0 $0xF7A, s2;
	p2 =	seq.s32 @!p0 s5, $0x0  }
0x1f: {  	s9 =	smul.u32 $0xF7A, s1;
	s8 =	simm.s32 @!p0 $0x1BF5;
	p2 =	por !p2, p0  }
0x20: {  	[sflag:s8] =	ssyncset.s32 @!p0 $0xFFFFF086;
	s6 =	sadd.s32 @!p0 s3, s7;
	s7 =	simm.s32 @!p0 $0x108  }
0x21: {  	s3 =	sadd.s32 s3, s9;
	s6 =	sadd.s32 @!p0 $0x88, s6;
	s7 =	simm.s32 @p2 $0x1082  }
0x22: {  	[simem:s7], [sflag:s8] =	dma.local @!p0 [hbm:s6], $0xF7A  }
0x23: {  	s9 =	sor.u32 $0xD0000000, s2;
	s6 =	simm.s32 $0x108;
	_ =	swait.ge @!p0 [sflag:s8], $0x0  }
0x24: {  	s3 =	sadd.s32 $0x88, s3;
	s6 =	simm.s32 @!p1 $0x1082;
	[sflag:s4] =	ssyncset.s32 $0xFFFFF086  }
0x25: {  	[simem:s6], [sflag:s4] =	dma.local [hbm:s3], $0xF7A  }
0x26: {  	[smem:$0x3F85] =	sst s1;
	(tag) =	ssettag s2;
	_ =	strace s9  }
0x27: {  	s1 =	sld [smem:$0x3F95]  }
0x28: {  	s2 =	sld [smem:$0x3F96]  }
0x29: {  	s4 =	sld [smem:$0x3F98]  }
0x2a: {  	p0 =	seq.s32 s5, $0x0;
	s5 =	sld [smem:$0x3F99]  }
0x2b: {  	s6 =	sld [smem:$0x3F9A]  }
0x2c: {  	s7 =	sld [smem:$0x3F9B]  }
0x2d: {  	s3 =	simm.s32 $0x108;
	s8 =	sld [smem:$0x3F9C]  }
0x2e: {  	s3 =	simm.s32 @!p0 $0x1082;
	s9 =	sld [smem:$0x3F9D]  }
0x2f: {  	lr =	sadd.s32 s0, s3;
	s0 =	sld [smem:$0x3F94]  }
0x30: {  	s3 =	sld [smem:$0x3F97]  }
0x31: {  	[smem:$0x3FA0] =	sst s10  }
0x32: {  	s10 =	sld [smem:$0x3F9E];
	_ =	sdelay $0x3  }
0x33: {  	p0 =	seq.s32 s10, $0x1;
	s10 =	sld [smem:$0x3FA0];
	_ =	sdelay $0x3  }
0x34: {  	[smem:$0x3FA0] =	sst s10  }
0x35: {  	s10 =	sld [smem:$0x3F9F];
	_ =	sdelay $0x3  }
0x36: {  	p1 =	seq.s32 s10, $0x1;
	s10 =	sld [smem:$0x3FA0];
	_ =	sdelay $0x3  }
0x37: {  	[smem:$0x3FA0] =	sst s10  }
0x38: {  	s10 =	sld [smem:$0x3FA1]  }
0x39: {  	_ = 	snop;
	(pc) =	sbr.ind lr, $3  }
0x3a: {  	_ = 	snop  }
0x3b: {  	_ = 	snop  }
0x3c: {  	p2 =	seq.s32 s10, $0x1;
	s10 =	sld [smem:$0x3FA0]  }
0x3d: {  	_ =	shalt  }
0x3e: {  	_ =	shalt  }
0x3f: {  	_ =	shalt  }
0x40: {  	_ =	shalt  }
0x41: {  	_ =	shalt  }
0x42: {  	_ =	shalt  }
0x43: {  	_ =	shalt  }
0x44: {  	_ =	shalt  }
0x45: {  	_ =	shalt  }
0x46: {  	_ =	shalt  }
0x47: {  	_ =	shalt  }
0x48: {  	_ =	shalt  }
0x49: {  	_ =	shalt  }
0x4a: {  	_ =	shalt  }
0x4b: {  	_ =	shalt  }
0x4c: {  	_ =	shalt  }
0x4d: {  	_ =	shalt  }
0x4e: {  	_ =	shalt  }
0x4f: {  	_ =	shalt  }
0x50: {  	_ =	shalt  }
0x51: {  	_ =	shalt  }
0x52: {  	_ =	shalt  }
0x53: {  	_ =	shalt  }
0x54: {  	_ =	shalt  }
0x55: {  	_ =	shalt  }
0x56: {  	_ =	shalt  }
0x57: {  	_ =	shalt  }
0x58: {  	_ =	shalt  }
0x59: {  	_ =	shalt  }
0x5a: {  	_ =	shalt  }
0x5b: {  	_ =	shalt  }
0x5c: {  	_ =	shalt  }
0x5d: {  	_ =	shalt  }
0x5e: {  	_ =	shalt  }
0x5f: {  	_ =	shalt  }
0x60: {  	_ =	shalt  }
0x61: {  	_ =	shalt  }
0x62: {  	_ =	shalt  }
0x63: {  	_ =	shalt  }
0x64: {  	_ =	shalt  }
0x65: {  	_ =	shalt  }
0x66: {  	_ =	shalt  }
0x67: {  	_ =	shalt  }
0x68: {  	_ =	shalt  }
0x69: {  	_ =	shalt  }
0x6a: {  	_ =	shalt  }
0x6b: {  	_ =	shalt  }
0x6c: {  	_ =	shalt  }
0x6d: {  	_ =	shalt  }
0x6e: {  	_ =	shalt  }
0x6f: {  	_ =	shalt  }
0x70: {  	_ =	shalt  }
0x71: {  	_ =	shalt  }
0x72: {  	_ =	shalt  }
0x73: {  	_ =	shalt  }
0x74: {  	_ =	shalt  }
0x75: {  	_ =	shalt  }
0x76: {  	_ =	shalt  }
0x77: {  	_ =	shalt  }
0x78: {  	_ =	shalt  }
0x79: {  	_ =	shalt  }
0x7a: {  	_ =	shalt  }
0x7b: {  	_ =	shalt  }
0x7c: {  	_ =	shalt  }
0x7d: {  	_ =	shalt  }
0x7e: {  	_ =	shalt  }
0x7f: {  	_ =	shalt  }
0x80: {  	_ =	shalt  }
0x81: {  	_ =	shalt  }
0x82: {  	_ =	shalt  }
0x83: {  	_ =	shalt  }
0x84: {  	_ =	shalt  }
0x85: {  	_ =	shalt  }
0x86: {  	_ =	shalt  }
0x87: {  	_ =	shalt  }
.Lfunc_end0:
.L_simem_size_0:
called_computation.1_lowered:
.L_overlay_start_0:
0x88: {  	s2 =	sld [smem:$0x3FD9]  }
0x89: {  	s3 =	sld [smem:$0x3FFE];
	_ =	sdelay $0x1  }
0x8a: {  	s1 =	srdreg.scid  }
0x8b: {  	s0 =	sand.u32 $0x1, s1  }
0x8c: {  	s14 =	sshll.u32 s0, $0xA;
	s2 =	sadd.s32 s3, s2  }
0x8d: {  	s2 =	sadd.s32 s2, s14  }
0x8e: {  	[smem:$0x3FAC] =	sst s2  }
0x8f: {  	_ = 	snop  }
0x90: {  	s2 =	sld [smem:$0x3FD0];
	_ =	sdelay $0x2  }
0x91: {  	s15 =	simm.s32 $0xA;
	s4 =	simm.s32 $0x10  }
0x92: {  	[smem:s4], [sflag:s15] =	dma.local [hbm:s2], $0x1  }
0x93: {  	_ =	swait.eq [sflag:s15], $0x1  }
0x94: {  	[sflag:s15] =	ssyncset.done $0x0  }
0x95: {  	s16 =	sld [smem:$0x11];
	[sflag:s15] =	ssyncadd.s32 $0xFFFFFFFF  }
0x96: {  	s17 =	sld [smem:$0x12];
	(tm) =	ssettm $0x1  }
0x97: {  	s18 =	sld [smem:$0x3FFB];
	_ =	sdelay $0x3  }
0x98: {  	_ =	strace s18  }
0x99: {  	s4 =	sld [smem:$0x3FFC];
	_ =	sdelay $0x3  }
0x9a: {  	_ =	strace s4  }
0x9b: {  	s4 =	sld [smem:$0x3FFD];
	_ =	sdelay $0x3  }
0x9c: {  	_ =	strace s4  }
0x9d: {  	_ =	strace $0x8FFFFFFF  }
0x9e: {  	s19 =	sld [smem:$0x3FDB];
	_ =	sdelay $0x1  }
0x9f: {  	s5 =	simm.s32 $_scs_section_size  }
0xa0: {  	s6 =	simm.s32 $_size__tile_overlayer_lowered;
	s7 =	simm.s32 $_tile_overlayer_lowered  }
0xa1: {  	s22 =	simm.s32 $0x1BFF;
	s21 =	sshll.u32 s7, $0x1;
	s4 =	sadd.s32 s5, s19  }
0xa2: {  	s8 =	simm.s32 $0x0;
	s20 =	sshll.u32 s6, $0x1;
	s6 =	sadd.s32 s21, s4  }
0xa3: {  	[timem:s8], [sflag:s22] =	dma.local [hbm:s6], s20  }
0xa4: {  	_ =	swait.ge [sflag:s22], s20  }
0xa5: {  	s5 =	ssub.s32 $0x0, s20;
	[sflag:s22] =	ssyncset.done $0x0  }
0xa6: {  	[sflag:s22] =	ssyncadd.s32 s5;
	_ =	sdelay $0x1  }
0xa7: {  	s23 =	simm.s32 $0x1B8B  }
0xa8: {  	_ =	swait.ge [sflag:s23], $0x1  }
0xa9: {  	[sflag:s23] =	ssyncset.done $0x0  }
0xaa: {  	s25 =	simm.s32 $0x1B8E;
	s24 =	sld [smem:$0x3FFE];
	[sflag:s23] =	ssyncadd.s32 $0xFFFFFFFF  }
0xab: {  	s26 =	simm.s32 $execute0_lowered;
	[smem:$0x3FD2] =	sst s25  }
0xac: {  	s6 =	sshll.u32 s26, $0x1;
	_ =	strace $0x80000049;
	[dreg:$0x1] =	wrdreg $0xFFFFFFFF  }
0xad: {  	s28 =	simm.s32 $_size_execute0_lowered;
	s4 =	sadd.s32 s4, s6;
	[dreg:$0x0] =	wrdreg $0x0  }
0xae: {  	s6 =	sshll.u32 s28, $0x1;
	[dreg:$0x2] =	wrdreg s4  }
0xaf: {  	[dreg:$0x3] =	wrdreg s6  }
0xb0: {  	[dreg:$0x4] =	wrdreg $0xC0  }
0xb1: {  	_ =	task [dreg:s8], $0x5FFFF  }
0xb2: {  	[dreg:$0x1] =	wrdreg $0xFFFFFFFF  }
0xb3: {  	[dreg:$0x0] =	wrdreg $0x60  }
0xb4: {  	[dreg:$0x2] =	wrdreg s17  }
0xb5: {  	[dreg:$0x3] =	wrdreg s16  }
0xb6: {  	[dreg:$0x4] =	wrdreg s24  }
0xb7: {  	[dreg:$0x5] =	wrdreg $0x90000  }
0xb8: {  	[dreg:$0x6] =	wrdreg $0x9  }
0xb9: {  	_ =	task.clear_ibuf [dreg:s8], $0x7FFFF;
	_ =	strace $0x90000049  }
0xba: {  	s29 =	simm.s32 $0x9;
	_ =	strace $0x8000004B  }
0xbb: {  	_ =	swait.ge [sflag:s29], $0x1  }
0xbc: {  	[sflag:s29] =	ssyncadd.s32 $0xFFFFFFFF  }
0xbd: {  	_ =	strace $0x9000004B  }
0xbe: {  	_ =	sfence  }
0xbf: {  	s30 =	sld [smem:$0x0];
	_ =	sdelay $0x2  }
0xc0: {  	s31 =	sshll.u32 s1, $0xD;
	s1 =	sshrl.u32 s1, $0x2  }
0xc1: {  	s3 =	sand.u32 $0x4000, s31;
	s1 =	sadd.s32 s1, s30  }
0xc2: {  	s0 =	sor.u32 s3, s0;
	s1 =	sshll.u32 s1, $0x11  }
0xc3: {  	s0 =	sor.u32 s1, s0  }
0xc4: {  	s0 =	sadd.s32 $0x8F2B, s0  }
0xc5: {  	[sflag:s0] =	ssyncadd.remote.s32 $0x1  }
0xc6: {  	_ =	sfence.sel $0xFFFF  }
0xc7: {  	[dreg:$0x0] =	wrdreg $0xFFFFFFFF;
	(pc) =	sbr.abs _section_cstart, $3  }
0xc8: {  	[dreg:$0x1] =	wrdreg $0xFFFFFFFF  }
0xc9: {  	_ =	task.clear_ibuf [dreg:s8], $0x2FFFF;
	_ =	strace $0x9FFFFFFF  }
0xca: {  	(tm) =	ssettm $0x7FFFFFFF  }
0xcb: {  	_ =	shalt  }
tec
execute0_lowered:
.L_overlay_start_1:
0x0: {  	(tag) =	ssettag $0x1  }
0x1: {  	s4 =	rddreg [dreg:$0x0]  }
0x2: {  	s6 =	rddreg [dreg:$0x1]  }
0x3: {  	s3 =	rddreg [dreg:$0x2]  }
0x4: {  	s1 =	rddreg [dreg:$0x3]  }
0x5: {  	s0 =	rddreg [dreg:$0x4]  }
0x6: {  	s2 =	simm.s32 $0x0;
	s5 =	srdreg.scid;
	s15 =	simm.s32 $0x5000  }
0x7: {  	s16 =	simm.s32 $0x1;
	s17 =	simm.s32 $0x2;
	s18 =	simm.s32 $0xF80  }
0x8: {  	s19 =	simm.s32 $0x0;
	[smem:$0x7FF] =	sst s2;
	s8 =	sand.u32 $0x1, s5  }
0x9: {  	s9 =	sadd.s32 $0x8600, s3;
	s3 =	stileid.u32;
	_ =	strace $0x8000004A  }
0xa: {  	s5 =	ssub.s32 $0x2, s8;
	s25 =	sshll.u32 s3, $0xD;
	s10 =	sshll.u32 s3, $0x11  }
0xb: {  	s11 =	sshll.u32 s8, $0xC;
	s13 =	sshll.u32 s3, $0xC;
	s28 =	sshll.u32 s3, $0x6  }
0xc: {  	s31 =	sshll.u32 s8, $0x10;
	s7 =	sshrl.u32 s5, $0x1;
	s12 =	sshrl.u32 s10, $0x2  }
0xd: {  	s4 =	sadd.s32 s4, s13;
	s10 =	sadd.s32 s10, s9;
	s13 =	simm.s32 $0x1000  }
0xe: {  	s7 =	ssub.s32 s5, s7;
	s5 =	sor.u32 s11, s25;
	s26 =	sadd.s32 s12, s1  }
0xf: {  	s10 =	sadd.s32 s31, s10;
	s12 =	simm.s32 $0x3;
	s29 =	sshrl.u32 s5, $0x3  }
0x10: {  	s14 =	sshll.u32 s5, $0x4;
	s5 =	sor.u32 $0x1C03, s28;
	s7 =	smax.u32 s7, $0x1  }
0x11: {  	s11 =	sshrl.u32 s26, $0x3;
	s6 =	sadd.s32 s6, s29;
	s30 =	sadd.s32 s9, s14  }
0x12: {  	s14 =	simm.s32 $0x80;
	s8 =	sadd.s32 $0xF000, s30;
	s9 =	sadd.s32 $0xF800, s30  }
.LBB2_1:
0x13: {  	[spmem:s11], [sflag:s5] =	dma.local [hbm:s4], $0x1000  }
0x14: {  	_ =	swait.ge [sflag:s12], $0x1000  }
0x15: {  	[sflag:s12] =	ssyncset.done $0x0  }
0x16: {  	[sflag:s12] =	ssyncadd.s32 $0xFFFFF000  }
0x17: {  	[tilespmem:s2], [sflag:$0x3] =	stream.linear.gather [hbm4b:s6+s2], $0x1000, $0x38;
	[tilespmem:$0x11000] =	vst v63  }
0x18: {  	_ =	swait.ge [sflag:s12], $0x1000  }
0x19: {  	[sflag:s12] =	ssyncset.done $0x0  }
0x1a: {  	[sflag:s12] =	ssyncadd.s32 $0xFFFFF000  }
0x1b: {  	[bflag:$0x0] =	sbarrier.arrive $0xFFFF  }
0x1c: {  	[tilespmem:s13], [sflag:$0x1] =	stream.indirect.gather [spmem:s1], $0x80, s2, s14, $0xb8;
	[tilespmem:$0x11000] =	vst v63  }
0x1d: {  	_ = 	snop  }
0x1e: {  	[tilespmem:s15], [sflag:$0x2] =	stream.indirect.gather [spmem:s1], $0x80, s14, s14, $0xb8;
	[tilespmem:$0x11000] =	vst v63  }
0x1f: {  	_ =	swait.ge [sflag:s16], $0x4000  }
0x20: {  	[sflag:s16] =	ssyncset.done $0x0  }
0x21: {  	s20 =	sadd.s32 $0x0, s10;
	[sflag:s16] =	ssyncadd.s32 $0xFFFFC000  }
0x22: {  	[hbm4b:s20+s2] =	stream.linear.scatter [tilespmem:s13], [sflag:$0x3], $0x4000, $0x38;
	[tilespmem:$0x11000] =	vst v63  }
0x23: {  	_ =	swait.ge [sflag:s12], $0x4000  }
0x24: {  	[sflag:s12] =	ssyncset.done $0x0  }
0x25: {  	s21 =	simm.s32 $0x100;
	[sflag:s12] =	ssyncadd.s32 $0xFFFFC000  }
0x26: {  	[tilespmem:s13], [sflag:$0x1] =	stream.indirect.gather [spmem:s1], $0x80, s21, s14, $0xb8;
	[tilespmem:$0x11000] =	vst v63  }
0x27: {  	_ =	swait.ge [sflag:s17], $0x4000  }
0x28: {  	[sflag:s17] =	ssyncset.done $0x0  }
0x29: {  	s20 =	sadd.s32 $0x800, s20;
	[sflag:s17] =	ssyncadd.s32 $0xFFFFC000  }
0x2a: {  	[hbm4b:s20+s2] =	stream.linear.scatter [tilespmem:s15], [sflag:$0x3], $0x4000, $0x38;
	[tilespmem:$0x11000] =	vst v63  }
0x2b: {  	_ =	swait.ge [sflag:s12], $0x4000  }
0x2c: {  	s21 =	simm.s32 $0x80;
	s20 =	simm.s32 $0x1000;
	[sflag:s12] =	ssyncset.done $0x0  }
.LBB2_2:
0x2d: {  	p0 =	sne.s32 s20, $0xE000;
	[sflag:s12] =	ssyncadd.s32 $0xFFFFC000;
	s21 =	sadd.s32 $0x100, s21  }
0x2e: {  	[tilespmem:s15], [sflag:$0x2] =	stream.indirect.gather [spmem:s1], $0x80, s21, s14, $0xb8;
	[tilespmem:$0x11000] =	vst v63  }
0x2f: {  	s22 =	smov.u32 s20;
	s20 =	sadd.s32 $0x1000, s20;
	_ =	swait.ge [sflag:s16], $0x4000  }
0x30: {  	[sflag:s16] =	ssyncset.done $0x0  }
0x31: {  	s22 =	sadd.s32 s22, s10;
	[sflag:s16] =	ssyncadd.s32 $0xFFFFC000  }
0x32: {  	[hbm4b:s22+s2] =	stream.linear.scatter [tilespmem:s13], [sflag:$0x3], $0x4000, $0x38;
	[tilespmem:$0x11000] =	vst v63  }
0x33: {  	_ =	swait.ge [sflag:s12], $0x4000  }
0x34: {  	[sflag:s12] =	ssyncset.done $0x0  }
0x35: {  	s23 =	sadd.s32 $0x80, s21;
	[sflag:s12] =	ssyncadd.s32 $0xFFFFC000  }
0x36: {  	[tilespmem:s13], [sflag:$0x1] =	stream.indirect.gather [spmem:s1], $0x80, s23, s14, $0xb8;
	[tilespmem:$0x11000] =	vst v63  }
0x37: {  	_ =	swait.ge [sflag:s17], $0x4000  }
.Ltmp0:
0x38: {  	[sflag:s17] =	ssyncset.done $0x0;
	(pc) =	sbr.rel @p0 .LBB2_2-.Ltmp0, $4  }
0x39: {  	s22 =	sadd.s32 $0x800, s22;
	[sflag:s17] =	ssyncadd.s32 $0xFFFFC000  }
0x3a: {  	[hbm4b:s22+s2] =	stream.linear.scatter [tilespmem:s15], [sflag:$0x3], $0x4000, $0x38;
	[tilespmem:$0x11000] =	vst v63  }
0x3b: {  	_ =	swait.ge [sflag:s12], $0x4000  }
0x3c: {  	[sflag:s12] =	ssyncset.done $0x0  }
0x3d: {  	[sflag:s12] =	ssyncadd.s32 $0xFFFFC000  }
0x3e: {  	[tilespmem:s15], [sflag:$0x2] =	stream.indirect.gather [spmem:s1], $0x80, s18, s14, $0xb8;
	[tilespmem:$0x11000] =	vst v63  }
0x3f: {  	_ =	swait.ge [sflag:s16], $0x4000  }
0x40: {  	[sflag:s16] =	ssyncset.done $0x0  }
0x41: {  	[sflag:s16] =	ssyncadd.s32 $0xFFFFC000  }
0x42: {  	[hbm4b:s8+s2] =	stream.linear.scatter [tilespmem:s13], [sflag:$0x3], $0x4000, $0x38;
	[tilespmem:$0x11000] =	vst v63  }
0x43: {  	_ =	swait.ge [sflag:s12], $0x4000  }
0x44: {  	[sflag:s12] =	ssyncset.done $0x0  }
0x45: {  	[sflag:s12] =	ssyncadd.s32 $0xFFFFC000  }
0x46: {  	s19 =	sadd.s32 $0x1, s19;
	_ =	swait.ge [sflag:s17], $0x4000  }
0x47: {  	p0 =	sne.s32 s19, s7;
	[sflag:s17] =	ssyncset.done $0x0  }
.Ltmp1:
0x48: {  	[sflag:s17] =	ssyncadd.s32 $0xFFFFC000;
	(pc) =	sbr.rel @p0 .LBB2_1-.Ltmp1, $4  }
0x49: {  	[hbm4b:s9+s2] =	stream.linear.scatter [tilespmem:s15], [sflag:$0x3], $0x4000, $0x38;
	[tilespmem:$0x11000] =	vst v63  }
0x4a: {  	_ =	swait.ge [sflag:s12], $0x4000  }
0x4b: {  	[sflag:s12] =	ssyncset.done $0x0  }
0x4c: {  	[sflag:s12] =	ssyncadd.s32 $0xFFFFC000  }
0x4d: {  	_ =	sfence.sel $0x180000  }
0x4e: {  	[bflag:$0x0] =	sbarrier.arrive $0xFFFF  }
0x4f: {  	p0 =	sne.s32 s3, $0x0;
	_ =	strace $0x9000004A  }
0x50: {  	s0 =	sadd.s32 @!p0 $0x100000, s0;
	[bflag:$0x2] =	sbarrier.arrive $0xFFFF  }
0x51: {  	[sflag:s0] =	ssyncadd.tile.s32 @!p0 $0x1;
	_ =	shalt  }
.Lfunc_end2:
_tile_overlayer_lowered:
.L_overlay_start_2:
0x52: {  	(tag) =	ssettag $0x2  }
0x53: {  	s0 =	rddreg [dreg:$0x0];
	s2 =	stileid.u32  }
0x54: {  	s1 =	rddreg [dreg:$0x1];
	p0 =	sne.s32 s2, $0x0  }
0x55: {  	s3 =	rddreg [dreg:$0x2];
	[bflag:$0x3] =	sbarrier.arrive $0xFFFF;
	s2 =	simm.s32 @!p0 $0x1C03  }
0x56: {  	[timem:s3], [sflag:s2] =	dma.local @!p0 [hbm:s0], s1  }
0x57: {  	s0 =	simm.s32 @!p0 $0x3  }
0x58: {  	_ =	swait.ge @!p0 [sflag:s0], s1  }
0x59: {  	s1 =	ssub.s32 @!p0 $0x0, s1;
	[sflag:s0] =	ssyncset.done @!p0 $0x0  }
0x5a: {  	[sflag:s0] =	ssyncadd.s32 @!p0 s1  }
0x5b: {  	[bflag:$0x3] =	sbarrier.arrive $0xFFFF  }
0x5c: {  	_ =	shalt  }

// kernel: kernel.15.cloned.1.call-start
scs
__scs_entry_jumppad:
0x0: {  	(pc) =	sbr.rel $0x88, $3  }
0x1: {  	(tag) =	ssettag $0x0;
	lr =	simm.s32 $0x1  }
0x2: {  	[smem:$0x3F85] =	sst lr;
	_ =	strace $0xD0000000  }
0x3: {  	_ = 	snop  }
0x4: {  	_ = 	snop  }
0x5: {  	_ = 	snop  }
0x6: {  	_ = 	snop  }
0x7: {  	_ = 	snop  }
__scs_overlays_trampoline_lowered:
0x8: {  	[smem:$0x3F94] =	sst s0  }
0x9: {  	[smem:$0x3F95] =	sst s1  }
0xa: {  	[smem:$0x3F96] =	sst s2  }
0xb: {  	[smem:$0x3F97] =	sst s3  }
0xc: {  	[smem:$0x3F98] =	sst s4  }
0xd: {  	[smem:$0x3F99] =	sst s5  }
0xe: {  	[smem:$0x3F9A] =	sst s6  }
0xf: {  	[smem:$0x3F9B] =	sst s7  }
0x10: {  	[smem:$0x3F9C] =	sst s8  }
0x11: {  	[smem:$0x3F9D] =	sst s9;
	s0 =	simm.s32 @!p0 $0x0  }
0x12: {  	s1 =	sld [smem:$0x3F83];
	s0 =	simm.s32 @p0 $0x1  }
0x13: {  	[smem:$0x3F9E] =	sst s0;
	s0 =	simm.s32 @!p1 $0x0  }
0x14: {  	s2 =	sld [smem:$0x3F82];
	s0 =	simm.s32 @p1 $0x1  }
0x15: {  	[smem:$0x3F9F] =	sst s0;
	s0 =	simm.s32 @!p2 $0x0  }
0x16: {  	s3 =	sld [smem:$0x3FDB];
	s0 =	simm.s32 @p2 $0x1  }
0x17: {  	s4 =	simm.s32 $0x1BF5;
	[smem:$0x3FA1] =	sst s0  }
0x18: {  	s0 =	sld [smem:$0x3F84];
	_ =	swait.ge [sflag:s4], $0x0  }
0x19: {  	s7 =	sld [smem:$0x3F85]  }
0x1a: {  	s8 =	sadd.s32 $0xFFFFE003, lr  }
0x1b: {  	s9 =	sadd.s32 $0xFFFFFEF7, lr;
	s5 =	simm.s32 $0xFFFFFFFF;
	p2 =	slt.u32 s8, $0xFFFFF086  }
0x1c: {  	p1 =	slt.u32 s9, $0xF7A;
	s5 =	simm.s32 @!p2 $0x0  }
0x1d: {  	s5 =	simm.s32 @p1 $0x1;
	p0 =	seq.s32 s7, s2  }
0x1e: {  	s7 =	smul.u32 @!p0 $0xF7A, s2;
	p2 =	seq.s32 @!p0 s5, $0x0  }
0x1f: {  	s9 =	smul.u32 $0xF7A, s1;
	s8 =	simm.s32 @!p0 $0x1BF5;
	p2 =	por !p2, p0  }
0x20: {  	[sflag:s8] =	ssyncset.s32 @!p0 $0xFFFFF086;
	s6 =	sadd.s32 @!p0 s3, s7;
	s7 =	simm.s32 @!p0 $0x108  }
0x21: {  	s3 =	sadd.s32 s3, s9;
	s6 =	sadd.s32 @!p0 $0x88, s6;
	s7 =	simm.s32 @p2 $0x1082  }
0x22: {  	[simem:s7], [sflag:s8] =	dma.local @!p0 [hbm:s6], $0xF7A  }
0x23: {  	s9 =	sor.u32 $0xD0000000, s2;
	s6 =	simm.s32 $0x108;
	_ =	swait.ge @!p0 [sflag:s8], $0x0  }
0x24: {  	s3 =	sadd.s32 $0x88, s3;
	s6 =	simm.s32 @!p1 $0x1082;
	[sflag:s4] =	ssyncset.s32 $0xFFFFF086  }
0x25: {  	[simem:s6], [sflag:s4] =	dma.local [hbm:s3], $0xF7A  }
0x26: {  	[smem:$0x3F85] =	sst s1;
	(tag) =	ssettag s2;
	_ =	strace s9  }
0x27: {  	s1 =	sld [smem:$0x3F95]  }
0x28: {  	s2 =	sld [smem:$0x3F96]  }
0x29: {  	s4 =	sld [smem:$0x3F98]  }
0x2a: {  	p0 =	seq.s32 s5, $0x0;
	s5 =	sld [smem:$0x3F99]  }
0x2b: {  	s6 =	sld [smem:$0x3F9A]  }
0x2c: {  	s7 =	sld [smem:$0x3F9B]  }
0x2d: {  	s3 =	simm.s32 $0x108;
	s8 =	sld [smem:$0x3F9C]  }
0x2e: {  	s3 =	simm.s32 @!p0 $0x1082;
	s9 =	sld [smem:$0x3F9D]  }
0x2f: {  	lr =	sadd.s32 s0, s3;
	s0 =	sld [smem:$0x3F94]  }
0x30: {  	s3 =	sld [smem:$0x3F97]  }
0x31: {  	[smem:$0x3FA0] =	sst s10  }
0x32: {  	s10 =	sld [smem:$0x3F9E];
	_ =	sdelay $0x3  }
0x33: {  	p0 =	seq.s32 s10, $0x1;
	s10 =	sld [smem:$0x3FA0];
	_ =	sdelay $0x3  }
0x34: {  	[smem:$0x3FA0] =	sst s10  }
0x35: {  	s10 =	sld [smem:$0x3F9F];
	_ =	sdelay $0x3  }
0x36: {  	p1 =	seq.s32 s10, $0x1;
	s10 =	sld [smem:$0x3FA0];
	_ =	sdelay $0x3  }
0x37: {  	[smem:$0x3FA0] =	sst s10  }
0x38: {  	s10 =	sld [smem:$0x3FA1]  }
0x39: {  	_ = 	snop;
	(pc) =	sbr.ind lr, $3  }
0x3a: {  	_ = 	snop  }
0x3b: {  	_ = 	snop  }
0x3c: {  	p2 =	seq.s32 s10, $0x1;
	s10 =	sld [smem:$0x3FA0]  }
0x3d: {  	_ =	shalt  }
0x3e: {  	_ =	shalt  }
0x3f: {  	_ =	shalt  }
0x40: {  	_ =	shalt  }
0x41: {  	_ =	shalt  }
0x42: {  	_ =	shalt  }
0x43: {  	_ =	shalt  }
0x44: {  	_ =	shalt  }
0x45: {  	_ =	shalt  }
0x46: {  	_ =	shalt  }
0x47: {  	_ =	shalt  }
0x48: {  	_ =	shalt  }
0x49: {  	_ =	shalt  }
0x4a: {  	_ =	shalt  }
0x4b: {  	_ =	shalt  }
0x4c: {  	_ =	shalt  }
0x4d: {  	_ =	shalt  }
0x4e: {  	_ =	shalt  }
0x4f: {  	_ =	shalt  }
0x50: {  	_ =	shalt  }
0x51: {  	_ =	shalt  }
0x52: {  	_ =	shalt  }
0x53: {  	_ =	shalt  }
0x54: {  	_ =	shalt  }
0x55: {  	_ =	shalt  }
0x56: {  	_ =	shalt  }
0x57: {  	_ =	shalt  }
0x58: {  	_ =	shalt  }
0x59: {  	_ =	shalt  }
0x5a: {  	_ =	shalt  }
0x5b: {  	_ =	shalt  }
0x5c: {  	_ =	shalt  }
0x5d: {  	_ =	shalt  }
0x5e: {  	_ =	shalt  }
0x5f: {  	_ =	shalt  }
0x60: {  	_ =	shalt  }
0x61: {  	_ =	shalt  }
0x62: {  	_ =	shalt  }
0x63: {  	_ =	shalt  }
0x64: {  	_ =	shalt  }
0x65: {  	_ =	shalt  }
0x66: {  	_ =	shalt  }
0x67: {  	_ =	shalt  }
0x68: {  	_ =	shalt  }
0x69: {  	_ =	shalt  }
0x6a: {  	_ =	shalt  }
0x6b: {  	_ =	shalt  }
0x6c: {  	_ =	shalt  }
0x6d: {  	_ =	shalt  }
0x6e: {  	_ =	shalt  }
0x6f: {  	_ =	shalt  }
0x70: {  	_ =	shalt  }
0x71: {  	_ =	shalt  }
0x72: {  	_ =	shalt  }
0x73: {  	_ =	shalt  }
0x74: {  	_ =	shalt  }
0x75: {  	_ =	shalt  }
0x76: {  	_ =	shalt  }
0x77: {  	_ =	shalt  }
0x78: {  	_ =	shalt  }
0x79: {  	_ =	shalt  }
0x7a: {  	_ =	shalt  }
0x7b: {  	_ =	shalt  }
0x7c: {  	_ =	shalt  }
0x7d: {  	_ =	shalt  }
0x7e: {  	_ =	shalt  }
0x7f: {  	_ =	shalt  }
0x80: {  	_ =	shalt  }
0x81: {  	_ =	shalt  }
0x82: {  	_ =	shalt  }
0x83: {  	_ =	shalt  }
0x84: {  	_ =	shalt  }
0x85: {  	_ =	shalt  }
0x86: {  	_ =	shalt  }
0x87: {  	_ =	shalt  }
.Lfunc_end0:
.L_simem_size_0:
called_computation.2_lowered:
.L_overlay_start_0:
0x88: {  	s2 =	sld [smem:$0x3FD9]  }
0x89: {  	s3 =	sld [smem:$0x3FFE];
	_ =	sdelay $0x1  }
0x8a: {  	s1 =	srdreg.scid  }
0x8b: {  	s0 =	sand.u32 $0x1, s1  }
0x8c: {  	s14 =	sshll.u32 s0, $0xA;
	s2 =	sadd.s32 s3, s2  }
0x8d: {  	s2 =	sadd.s32 s2, s14  }
0x8e: {  	[smem:$0x3FAC] =	sst s2  }
0x8f: {  	_ = 	snop  }
0x90: {  	s2 =	sld [smem:$0x3FD0];
	_ =	sdelay $0x2  }
0x91: {  	s15 =	simm.s32 $0xA;
	s4 =	simm.s32 $0x10  }
0x92: {  	[smem:s4], [sflag:s15] =	dma.local [hbm:s2], $0x1  }
0x93: {  	_ =	swait.eq [sflag:s15], $0x1  }
0x94: {  	[sflag:s15] =	ssyncset.done $0x0  }
0x95: {  	s16 =	sld [smem:$0x11];
	[sflag:s15] =	ssyncadd.s32 $0xFFFFFFFF  }
0x96: {  	s17 =	sld [smem:$0x12];
	(tm) =	ssettm $0x1  }
0x97: {  	s18 =	sld [smem:$0x3FFB];
	_ =	sdelay $0x3  }
0x98: {  	_ =	strace s18  }
0x99: {  	s4 =	sld [smem:$0x3FFC];
	_ =	sdelay $0x3  }
0x9a: {  	_ =	strace s4  }
0x9b: {  	s4 =	sld [smem:$0x3FFD];
	_ =	sdelay $0x3  }
0x9c: {  	_ =	strace s4  }
0x9d: {  	_ =	strace $0x8FFFFFFF  }
0x9e: {  	s19 =	sld [smem:$0x3FDB];
	_ =	sdelay $0x1  }
0x9f: {  	s5 =	simm.s32 $_scs_section_size  }
0xa0: {  	s6 =	simm.s32 $_size__tile_overlayer_lowered;
	s7 =	simm.s32 $_tile_overlayer_lowered  }
0xa1: {  	s22 =	simm.s32 $0x1BFF;
	s21 =	sshll.u32 s7, $0x1;
	s4 =	sadd.s32 s5, s19  }
0xa2: {  	s8 =	simm.s32 $0x0;
	s20 =	sshll.u32 s6, $0x1;
	s6 =	sadd.s32 s21, s4  }
0xa3: {  	[timem:s8], [sflag:s22] =	dma.local [hbm:s6], s20  }
0xa4: {  	_ =	swait.ge [sflag:s22], s20  }
0xa5: {  	s5 =	ssub.s32 $0x0, s20;
	[sflag:s22] =	ssyncset.done $0x0  }
0xa6: {  	[sflag:s22] =	ssyncadd.s32 s5;
	_ =	sdelay $0x1  }
0xa7: {  	s23 =	simm.s32 $0x1B8B  }
0xa8: {  	_ =	swait.ge [sflag:s23], $0x1  }
0xa9: {  	[sflag:s23] =	ssyncset.done $0x0  }
0xaa: {  	s25 =	simm.s32 $0x1B8E;
	s24 =	sld [smem:$0x3FFE];
	[sflag:s23] =	ssyncadd.s32 $0xFFFFFFFF  }
0xab: {  	s26 =	simm.s32 $execute0_lowered;
	[smem:$0x3FD2] =	sst s25  }
0xac: {  	s6 =	sshll.u32 s26, $0x1;
	_ =	strace $0x8000004C;
	[dreg:$0x1] =	wrdreg $0xFFFFFFFF  }
0xad: {  	s28 =	simm.s32 $_size_execute0_lowered;
	s4 =	sadd.s32 s4, s6;
	[dreg:$0x0] =	wrdreg $0x0  }
0xae: {  	s6 =	sshll.u32 s28, $0x1;
	[dreg:$0x2] =	wrdreg s4  }
0xaf: {  	[dreg:$0x3] =	wrdreg s6  }
0xb0: {  	[dreg:$0x4] =	wrdreg $0xC0  }
0xb1: {  	_ =	task [dreg:s8], $0x5FFFF  }
0xb2: {  	[dreg:$0x1] =	wrdreg $0xFFFFFFFF  }
0xb3: {  	[dreg:$0x0] =	wrdreg $0x60  }
0xb4: {  	[dreg:$0x2] =	wrdreg s17  }
0xb5: {  	[dreg:$0x3] =	wrdreg s16  }
0xb6: {  	[dreg:$0x4] =	wrdreg s24  }
0xb7: {  	[dreg:$0x5] =	wrdreg $0x90000  }
0xb8: {  	[dreg:$0x6] =	wrdreg $0x9  }
0xb9: {  	_ =	task.clear_ibuf [dreg:s8], $0x7FFFF;
	_ =	strace $0x9000004C  }
0xba: {  	s29 =	simm.s32 $0x9;
	_ =	strace $0x8000004E  }
0xbb: {  	_ =	swait.ge [sflag:s29], $0x1  }
0xbc: {  	[sflag:s29] =	ssyncadd.s32 $0xFFFFFFFF  }
0xbd: {  	_ =	strace $0x9000004E  }
0xbe: {  	_ =	sfence  }
0xbf: {  	s30 =	sld [smem:$0x0];
	_ =	sdelay $0x2  }
0xc0: {  	s31 =	sshll.u32 s1, $0xD;
	s1 =	sshrl.u32 s1, $0x2  }
0xc1: {  	s3 =	sand.u32 $0x4000, s31;
	s1 =	sadd.s32 s1, s30  }
0xc2: {  	s0 =	sor.u32 s3, s0;
	s1 =	sshll.u32 s1, $0x11  }
0xc3: {  	s0 =	sor.u32 s1, s0  }
0xc4: {  	s0 =	sadd.s32 $0x8F2B, s0  }
0xc5: {  	[sflag:s0] =	ssyncadd.remote.s32 $0x1  }
0xc6: {  	_ =	sfence.sel $0xFFFF  }
0xc7: {  	[dreg:$0x0] =	wrdreg $0xFFFFFFFF;
	(pc) =	sbr.abs _section_cstart, $3  }
0xc8: {  	[dreg:$0x1] =	wrdreg $0xFFFFFFFF  }
0xc9: {  	_ =	task.clear_ibuf [dreg:s8], $0x2FFFF;
	_ =	strace $0x9FFFFFFF  }
0xca: {  	(tm) =	ssettm $0x7FFFFFFF  }
0xcb: {  	_ =	shalt  }
tec
execute0_lowered:
.L_overlay_start_1:
0x0: {  	(tag) =	ssettag $0x1  }
0x1: {  	s4 =	rddreg [dreg:$0x0]  }
0x2: {  	s6 =	rddreg [dreg:$0x1]  }
0x3: {  	s3 =	rddreg [dreg:$0x2]  }
0x4: {  	s1 =	rddreg [dreg:$0x3]  }
0x5: {  	s0 =	rddreg [dreg:$0x4]  }
0x6: {  	s2 =	simm.s32 $0x0;
	s5 =	srdreg.scid;
	s15 =	simm.s32 $0x5000  }
0x7: {  	s16 =	simm.s32 $0x1;
	s17 =	simm.s32 $0x2;
	s18 =	simm.s32 $0xF80  }
0x8: {  	s19 =	simm.s32 $0x0;
	[smem:$0x7FF] =	sst s2;
	s8 =	sand.u32 $0x1, s5  }
0x9: {  	s9 =	sadd.s32 $0x8600, s3;
	s3 =	stileid.u32;
	_ =	strace $0x8000004D  }
0xa: {  	s5 =	ssub.s32 $0x2, s8;
	s25 =	sshll.u32 s3, $0xD;
	s10 =	sshll.u32 s3, $0x11  }
0xb: {  	s11 =	sshll.u32 s8, $0xC;
	s13 =	sshll.u32 s3, $0xC;
	s28 =	sshll.u32 s3, $0x6  }
0xc: {  	s31 =	sshll.u32 s8, $0x10;
	s7 =	sshrl.u32 s5, $0x1;
	s12 =	sshrl.u32 s10, $0x2  }
0xd: {  	s4 =	sadd.s32 s4, s13;
	s10 =	sadd.s32 s10, s9;
	s13 =	simm.s32 $0x1000  }
0xe: {  	s7 =	ssub.s32 s5, s7;
	s5 =	sor.u32 s11, s25;
	s26 =	sadd.s32 s12, s1  }
0xf: {  	s10 =	sadd.s32 s31, s10;
	s12 =	simm.s32 $0x3;
	s29 =	sshrl.u32 s5, $0x3  }
0x10: {  	s14 =	sshll.u32 s5, $0x4;
	s5 =	sor.u32 $0x1C03, s28;
	s7 =	smax.u32 s7, $0x1  }
0x11: {  	s11 =	sshrl.u32 s26, $0x3;
	s6 =	sadd.s32 s6, s29;
	s30 =	sadd.s32 s9, s14  }
0x12: {  	s14 =	simm.s32 $0x80;
	s8 =	sadd.s32 $0xF000, s30;
	s9 =	sadd.s32 $0xF800, s30  }
.LBB2_1:
0x13: {  	[spmem:s11], [sflag:s5] =	dma.local [hbm:s4], $0x1000  }
0x14: {  	_ =	swait.ge [sflag:s12], $0x1000  }
0x15: {  	[sflag:s12] =	ssyncset.done $0x0  }
0x16: {  	[sflag:s12] =	ssyncadd.s32 $0xFFFFF000  }
0x17: {  	[tilespmem:s2], [sflag:$0x3] =	stream.linear.gather [hbm4b:s6+s2], $0x1000, $0x38;
	[tilespmem:$0x11000] =	vst v63  }
0x18: {  	_ =	swait.ge [sflag:s12], $0x1000  }
0x19: {  	[sflag:s12] =	ssyncset.done $0x0  }
0x1a: {  	[sflag:s12] =	ssyncadd.s32 $0xFFFFF000  }
0x1b: {  	[bflag:$0x0] =	sbarrier.arrive $0xFFFF  }
0x1c: {  	[tilespmem:s13], [sflag:$0x1] =	stream.indirect.gather [spmem:s1], $0x80, s2, s14, $0xb8;
	[tilespmem:$0x11000] =	vst v63  }
0x1d: {  	_ = 	snop  }
0x1e: {  	[tilespmem:s15], [sflag:$0x2] =	stream.indirect.gather [spmem:s1], $0x80, s14, s14, $0xb8;
	[tilespmem:$0x11000] =	vst v63  }
0x1f: {  	_ =	swait.ge [sflag:s16], $0x4000  }
0x20: {  	[sflag:s16] =	ssyncset.done $0x0  }
0x21: {  	s20 =	sadd.s32 $0x0, s10;
	[sflag:s16] =	ssyncadd.s32 $0xFFFFC000  }
0x22: {  	[hbm4b:s20+s2] =	stream.linear.scatter [tilespmem:s13], [sflag:$0x3], $0x4000, $0x38;
	[tilespmem:$0x11000] =	vst v63  }
0x23: {  	_ =	swait.ge [sflag:s12], $0x4000  }
0x24: {  	[sflag:s12] =	ssyncset.done $0x0  }
0x25: {  	s21 =	simm.s32 $0x100;
	[sflag:s12] =	ssyncadd.s32 $0xFFFFC000  }
0x26: {  	[tilespmem:s13], [sflag:$0x1] =	stream.indirect.gather [spmem:s1], $0x80, s21, s14, $0xb8;
	[tilespmem:$0x11000] =	vst v63  }
0x27: {  	_ =	swait.ge [sflag:s17], $0x4000  }
0x28: {  	[sflag:s17] =	ssyncset.done $0x0  }
0x29: {  	s20 =	sadd.s32 $0x800, s20;
	[sflag:s17] =	ssyncadd.s32 $0xFFFFC000  }
0x2a: {  	[hbm4b:s20+s2] =	stream.linear.scatter [tilespmem:s15], [sflag:$0x3], $0x4000, $0x38;
	[tilespmem:$0x11000] =	vst v63  }
0x2b: {  	_ =	swait.ge [sflag:s12], $0x4000  }
0x2c: {  	s21 =	simm.s32 $0x80;
	s20 =	simm.s32 $0x1000;
	[sflag:s12] =	ssyncset.done $0x0  }
.LBB2_2:
0x2d: {  	p0 =	sne.s32 s20, $0xE000;
	[sflag:s12] =	ssyncadd.s32 $0xFFFFC000;
	s21 =	sadd.s32 $0x100, s21  }
0x2e: {  	[tilespmem:s15], [sflag:$0x2] =	stream.indirect.gather [spmem:s1], $0x80, s21, s14, $0xb8;
	[tilespmem:$0x11000] =	vst v63  }
0x2f: {  	s22 =	smov.u32 s20;
	s20 =	sadd.s32 $0x1000, s20;
	_ =	swait.ge [sflag:s16], $0x4000  }
0x30: {  	[sflag:s16] =	ssyncset.done $0x0  }
0x31: {  	s22 =	sadd.s32 s22, s10;
	[sflag:s16] =	ssyncadd.s32 $0xFFFFC000  }
0x32: {  	[hbm4b:s22+s2] =	stream.linear.scatter [tilespmem:s13], [sflag:$0x3], $0x4000, $0x38;
	[tilespmem:$0x11000] =	vst v63  }
0x33: {  	_ =	swait.ge [sflag:s12], $0x4000  }
0x34: {  	[sflag:s12] =	ssyncset.done $0x0  }
0x35: {  	s23 =	sadd.s32 $0x80, s21;
	[sflag:s12] =	ssyncadd.s32 $0xFFFFC000  }
0x36: {  	[tilespmem:s13], [sflag:$0x1] =	stream.indirect.gather [spmem:s1], $0x80, s23, s14, $0xb8;
	[tilespmem:$0x11000] =	vst v63  }
0x37: {  	_ =	swait.ge [sflag:s17], $0x4000  }
.Ltmp0:
0x38: {  	[sflag:s17] =	ssyncset.done $0x0;
	(pc) =	sbr.rel @p0 .LBB2_2-.Ltmp0, $4  }
0x39: {  	s22 =	sadd.s32 $0x800, s22;
	[sflag:s17] =	ssyncadd.s32 $0xFFFFC000  }
0x3a: {  	[hbm4b:s22+s2] =	stream.linear.scatter [tilespmem:s15], [sflag:$0x3], $0x4000, $0x38;
	[tilespmem:$0x11000] =	vst v63  }
0x3b: {  	_ =	swait.ge [sflag:s12], $0x4000  }
0x3c: {  	[sflag:s12] =	ssyncset.done $0x0  }
0x3d: {  	[sflag:s12] =	ssyncadd.s32 $0xFFFFC000  }
0x3e: {  	[tilespmem:s15], [sflag:$0x2] =	stream.indirect.gather [spmem:s1], $0x80, s18, s14, $0xb8;
	[tilespmem:$0x11000] =	vst v63  }
0x3f: {  	_ =	swait.ge [sflag:s16], $0x4000  }
0x40: {  	[sflag:s16] =	ssyncset.done $0x0  }
0x41: {  	[sflag:s16] =	ssyncadd.s32 $0xFFFFC000  }
0x42: {  	[hbm4b:s8+s2] =	stream.linear.scatter [tilespmem:s13], [sflag:$0x3], $0x4000, $0x38;
	[tilespmem:$0x11000] =	vst v63  }
0x43: {  	_ =	swait.ge [sflag:s12], $0x4000  }
0x44: {  	[sflag:s12] =	ssyncset.done $0x0  }
0x45: {  	[sflag:s12] =	ssyncadd.s32 $0xFFFFC000  }
0x46: {  	s19 =	sadd.s32 $0x1, s19;
	_ =	swait.ge [sflag:s17], $0x4000  }
0x47: {  	p0 =	sne.s32 s19, s7;
	[sflag:s17] =	ssyncset.done $0x0  }
.Ltmp1:
0x48: {  	[sflag:s17] =	ssyncadd.s32 $0xFFFFC000;
	(pc) =	sbr.rel @p0 .LBB2_1-.Ltmp1, $4  }
0x49: {  	[hbm4b:s9+s2] =	stream.linear.scatter [tilespmem:s15], [sflag:$0x3], $0x4000, $0x38;
	[tilespmem:$0x11000] =	vst v63  }
0x4a: {  	_ =	swait.ge [sflag:s12], $0x4000  }
0x4b: {  	[sflag:s12] =	ssyncset.done $0x0  }
0x4c: {  	[sflag:s12] =	ssyncadd.s32 $0xFFFFC000  }
0x4d: {  	_ =	sfence.sel $0x180000  }
0x4e: {  	[bflag:$0x0] =	sbarrier.arrive $0xFFFF  }
0x4f: {  	p0 =	sne.s32 s3, $0x0;
	_ =	strace $0x9000004D  }
0x50: {  	s0 =	sadd.s32 @!p0 $0x100000, s0;
	[bflag:$0x2] =	sbarrier.arrive $0xFFFF  }
0x51: {  	[sflag:s0] =	ssyncadd.tile.s32 @!p0 $0x1;
	_ =	shalt  }
.Lfunc_end2:
_tile_overlayer_lowered:
.L_overlay_start_2:
0x52: {  	(tag) =	ssettag $0x2  }
0x53: {  	s0 =	rddreg [dreg:$0x0];
	s2 =	stileid.u32  }
0x54: {  	s1 =	rddreg [dreg:$0x1];
	p0 =	sne.s32 s2, $0x0  }
0x55: {  	s3 =	rddreg [dreg:$0x2];
	[bflag:$0x3] =	sbarrier.arrive $0xFFFF;
	s2 =	simm.s32 @!p0 $0x1C03  }
0x56: {  	[timem:s3], [sflag:s2] =	dma.local @!p0 [hbm:s0], s1  }
0x57: {  	s0 =	simm.s32 @!p0 $0x3  }
0x58: {  	_ =	swait.ge @!p0 [sflag:s0], s1  }
0x59: {  	s1 =	ssub.s32 @!p0 $0x0, s1;
	[sflag:s0] =	ssyncset.done @!p0 $0x0  }
0x5a: {  	[sflag:s0] =	ssyncadd.s32 @!p0 s1  }
0x5b: {  	[bflag:$0x3] =	sbarrier.arrive $0xFFFF  }
0x5c: {  	_ =	shalt  }

// kernel: kernel.9.cloned.1.call-start
scs
__scs_entry_jumppad:
0x0: {  	(pc) =	sbr.rel $0x88, $3  }
0x1: {  	(tag) =	ssettag $0x0;
	lr =	simm.s32 $0x1  }
0x2: {  	[smem:$0x3F85] =	sst lr;
	_ =	strace $0xD0000000  }
0x3: {  	_ = 	snop  }
0x4: {  	_ = 	snop  }
0x5: {  	_ = 	snop  }
0x6: {  	_ = 	snop  }
0x7: {  	_ = 	snop  }
__scs_overlays_trampoline_lowered:
0x8: {  	[smem:$0x3F94] =	sst s0  }
0x9: {  	[smem:$0x3F95] =	sst s1  }
0xa: {  	[smem:$0x3F96] =	sst s2  }
0xb: {  	[smem:$0x3F97] =	sst s3  }
0xc: {  	[smem:$0x3F98] =	sst s4  }
0xd: {  	[smem:$0x3F99] =	sst s5  }
0xe: {  	[smem:$0x3F9A] =	sst s6  }
0xf: {  	[smem:$0x3F9B] =	sst s7  }
0x10: {  	[smem:$0x3F9C] =	sst s8  }
0x11: {  	[smem:$0x3F9D] =	sst s9;
	s0 =	simm.s32 @!p0 $0x0  }
0x12: {  	s1 =	sld [smem:$0x3F83];
	s0 =	simm.s32 @p0 $0x1  }
0x13: {  	[smem:$0x3F9E] =	sst s0;
	s0 =	simm.s32 @!p1 $0x0  }
0x14: {  	s2 =	sld [smem:$0x3F82];
	s0 =	simm.s32 @p1 $0x1  }
0x15: {  	[smem:$0x3F9F] =	sst s0;
	s0 =	simm.s32 @!p2 $0x0  }
0x16: {  	s3 =	sld [smem:$0x3FDB];
	s0 =	simm.s32 @p2 $0x1  }
0x17: {  	s4 =	simm.s32 $0x1BF5;
	[smem:$0x3FA1] =	sst s0  }
0x18: {  	s0 =	sld [smem:$0x3F84];
	_ =	swait.ge [sflag:s4], $0x0  }
0x19: {  	s7 =	sld [smem:$0x3F85]  }
0x1a: {  	s8 =	sadd.s32 $0xFFFFE003, lr  }
0x1b: {  	s9 =	sadd.s32 $0xFFFFFEF7, lr;
	s5 =	simm.s32 $0xFFFFFFFF;
	p2 =	slt.u32 s8, $0xFFFFF086  }
0x1c: {  	p1 =	slt.u32 s9, $0xF7A;
	s5 =	simm.s32 @!p2 $0x0  }
0x1d: {  	s5 =	simm.s32 @p1 $0x1;
	p0 =	seq.s32 s7, s2  }
0x1e: {  	s7 =	smul.u32 @!p0 $0xF7A, s2;
	p2 =	seq.s32 @!p0 s5, $0x0  }
0x1f: {  	s9 =	smul.u32 $0xF7A, s1;
	s8 =	simm.s32 @!p0 $0x1BF5;
	p2 =	por !p2, p0  }
0x20: {  	[sflag:s8] =	ssyncset.s32 @!p0 $0xFFFFF086;
	s6 =	sadd.s32 @!p0 s3, s7;
	s7 =	simm.s32 @!p0 $0x108  }
0x21: {  	s3 =	sadd.s32 s3, s9;
	s6 =	sadd.s32 @!p0 $0x88, s6;
	s7 =	simm.s32 @p2 $0x1082  }
0x22: {  	[simem:s7], [sflag:s8] =	dma.local @!p0 [hbm:s6], $0xF7A  }
0x23: {  	s9 =	sor.u32 $0xD0000000, s2;
	s6 =	simm.s32 $0x108;
	_ =	swait.ge @!p0 [sflag:s8], $0x0  }
0x24: {  	s3 =	sadd.s32 $0x88, s3;
	s6 =	simm.s32 @!p1 $0x1082;
	[sflag:s4] =	ssyncset.s32 $0xFFFFF086  }
0x25: {  	[simem:s6], [sflag:s4] =	dma.local [hbm:s3], $0xF7A  }
0x26: {  	[smem:$0x3F85] =	sst s1;
	(tag) =	ssettag s2;
	_ =	strace s9  }
0x27: {  	s1 =	sld [smem:$0x3F95]  }
0x28: {  	s2 =	sld [smem:$0x3F96]  }
0x29: {  	s4 =	sld [smem:$0x3F98]  }
0x2a: {  	p0 =	seq.s32 s5, $0x0;
	s5 =	sld [smem:$0x3F99]  }
0x2b: {  	s6 =	sld [smem:$0x3F9A]  }
0x2c: {  	s7 =	sld [smem:$0x3F9B]  }
0x2d: {  	s3 =	simm.s32 $0x108;
	s8 =	sld [smem:$0x3F9C]  }
0x2e: {  	s3 =	simm.s32 @!p0 $0x1082;
	s9 =	sld [smem:$0x3F9D]  }
0x2f: {  	lr =	sadd.s32 s0, s3;
	s0 =	sld [smem:$0x3F94]  }
0x30: {  	s3 =	sld [smem:$0x3F97]  }
0x31: {  	[smem:$0x3FA0] =	sst s10  }
0x32: {  	s10 =	sld [smem:$0x3F9E];
	_ =	sdelay $0x3  }
0x33: {  	p0 =	seq.s32 s10, $0x1;
	s10 =	sld [smem:$0x3FA0];
	_ =	sdelay $0x3  }
0x34: {  	[smem:$0x3FA0] =	sst s10  }
0x35: {  	s10 =	sld [smem:$0x3F9F];
	_ =	sdelay $0x3  }
0x36: {  	p1 =	seq.s32 s10, $0x1;
	s10 =	sld [smem:$0x3FA0];
	_ =	sdelay $0x3  }
0x37: {  	[smem:$0x3FA0] =	sst s10  }
0x38: {  	s10 =	sld [smem:$0x3FA1]  }
0x39: {  	_ = 	snop;
	(pc) =	sbr.ind lr, $3  }
0x3a: {  	_ = 	snop  }
0x3b: {  	_ = 	snop  }
0x3c: {  	p2 =	seq.s32 s10, $0x1;
	s10 =	sld [smem:$0x3FA0]  }
0x3d: {  	_ =	shalt  }
0x3e: {  	_ =	shalt  }
0x3f: {  	_ =	shalt  }
0x40: {  	_ =	shalt  }
0x41: {  	_ =	shalt  }
0x42: {  	_ =	shalt  }
0x43: {  	_ =	shalt  }
0x44: {  	_ =	shalt  }
0x45: {  	_ =	shalt  }
0x46: {  	_ =	shalt  }
0x47: {  	_ =	shalt  }
0x48: {  	_ =	shalt  }
0x49: {  	_ =	shalt  }
0x4a: {  	_ =	shalt  }
0x4b: {  	_ =	shalt  }
0x4c: {  	_ =	shalt  }
0x4d: {  	_ =	shalt  }
0x4e: {  	_ =	shalt  }
0x4f: {  	_ =	shalt  }
0x50: {  	_ =	shalt  }
0x51: {  	_ =	shalt  }
0x52: {  	_ =	shalt  }
0x53: {  	_ =	shalt  }
0x54: {  	_ =	shalt  }
0x55: {  	_ =	shalt  }
0x56: {  	_ =	shalt  }
0x57: {  	_ =	shalt  }
0x58: {  	_ =	shalt  }
0x59: {  	_ =	shalt  }
0x5a: {  	_ =	shalt  }
0x5b: {  	_ =	shalt  }
0x5c: {  	_ =	shalt  }
0x5d: {  	_ =	shalt  }
0x5e: {  	_ =	shalt  }
0x5f: {  	_ =	shalt  }
0x60: {  	_ =	shalt  }
0x61: {  	_ =	shalt  }
0x62: {  	_ =	shalt  }
0x63: {  	_ =	shalt  }
0x64: {  	_ =	shalt  }
0x65: {  	_ =	shalt  }
0x66: {  	_ =	shalt  }
0x67: {  	_ =	shalt  }
0x68: {  	_ =	shalt  }
0x69: {  	_ =	shalt  }
0x6a: {  	_ =	shalt  }
0x6b: {  	_ =	shalt  }
0x6c: {  	_ =	shalt  }
0x6d: {  	_ =	shalt  }
0x6e: {  	_ =	shalt  }
0x6f: {  	_ =	shalt  }
0x70: {  	_ =	shalt  }
0x71: {  	_ =	shalt  }
0x72: {  	_ =	shalt  }
0x73: {  	_ =	shalt  }
0x74: {  	_ =	shalt  }
0x75: {  	_ =	shalt  }
0x76: {  	_ =	shalt  }
0x77: {  	_ =	shalt  }
0x78: {  	_ =	shalt  }
0x79: {  	_ =	shalt  }
0x7a: {  	_ =	shalt  }
0x7b: {  	_ =	shalt  }
0x7c: {  	_ =	shalt  }
0x7d: {  	_ =	shalt  }
0x7e: {  	_ =	shalt  }
0x7f: {  	_ =	shalt  }
0x80: {  	_ =	shalt  }
0x81: {  	_ =	shalt  }
0x82: {  	_ =	shalt  }
0x83: {  	_ =	shalt  }
0x84: {  	_ =	shalt  }
0x85: {  	_ =	shalt  }
0x86: {  	_ =	shalt  }
0x87: {  	_ =	shalt  }
.Lfunc_end0:
.L_simem_size_0:
called_computation_lowered:
.L_overlay_start_0:
0x88: {  	s2 =	sld [smem:$0x3FD9]  }
0x89: {  	s3 =	sld [smem:$0x3FFE];
	_ =	sdelay $0x1  }
0x8a: {  	s1 =	srdreg.scid  }
0x8b: {  	s0 =	sand.u32 $0x1, s1  }
0x8c: {  	s14 =	sshll.u32 s0, $0xA;
	s2 =	sadd.s32 s3, s2  }
0x8d: {  	s2 =	sadd.s32 s2, s14  }
0x8e: {  	[smem:$0x3FAC] =	sst s2  }
0x8f: {  	_ = 	snop  }
0x90: {  	s2 =	sld [smem:$0x3FD0];
	_ =	sdelay $0x2  }
0x91: {  	s15 =	simm.s32 $0xA;
	s4 =	simm.s32 $0x10  }
0x92: {  	[smem:s4], [sflag:s15] =	dma.local [hbm:s2], $0x1  }
0x93: {  	_ =	swait.eq [sflag:s15], $0x1  }
0x94: {  	[sflag:s15] =	ssyncset.done $0x0  }
0x95: {  	s16 =	sld [smem:$0x11];
	[sflag:s15] =	ssyncadd.s32 $0xFFFFFFFF  }
0x96: {  	s17 =	sld [smem:$0x12];
	(tm) =	ssettm $0x1  }
0x97: {  	s18 =	sld [smem:$0x3FFB];
	_ =	sdelay $0x3  }
0x98: {  	_ =	strace s18  }
0x99: {  	s4 =	sld [smem:$0x3FFC];
	_ =	sdelay $0x3  }
0x9a: {  	_ =	strace s4  }
0x9b: {  	s4 =	sld [smem:$0x3FFD];
	_ =	sdelay $0x3  }
0x9c: {  	_ =	strace s4  }
0x9d: {  	_ =	strace $0x8FFFFFFF  }
0x9e: {  	s19 =	sld [smem:$0x3FDB];
	_ =	sdelay $0x1  }
0x9f: {  	s5 =	simm.s32 $_scs_section_size  }
0xa0: {  	s6 =	simm.s32 $_size__tile_overlayer_lowered;
	s7 =	simm.s32 $_tile_overlayer_lowered  }
0xa1: {  	s22 =	simm.s32 $0x1BFF;
	s21 =	sshll.u32 s7, $0x1;
	s4 =	sadd.s32 s5, s19  }
0xa2: {  	s8 =	simm.s32 $0x0;
	s20 =	sshll.u32 s6, $0x1;
	s6 =	sadd.s32 s21, s4  }
0xa3: {  	[timem:s8], [sflag:s22] =	dma.local [hbm:s6], s20  }
0xa4: {  	_ =	swait.ge [sflag:s22], s20  }
0xa5: {  	s5 =	ssub.s32 $0x0, s20;
	[sflag:s22] =	ssyncset.done $0x0  }
0xa6: {  	[sflag:s22] =	ssyncadd.s32 s5;
	_ =	sdelay $0x1  }
0xa7: {  	s23 =	simm.s32 $0x1B8B  }
0xa8: {  	_ =	swait.ge [sflag:s23], $0x1  }
0xa9: {  	[sflag:s23] =	ssyncset.done $0x0  }
0xaa: {  	s25 =	simm.s32 $0x1B8E;
	s24 =	sld [smem:$0x3FFE];
	[sflag:s23] =	ssyncadd.s32 $0xFFFFFFFF  }
0xab: {  	s26 =	simm.s32 $execute0_lowered;
	[smem:$0x3FD2] =	sst s25  }
0xac: {  	s6 =	sshll.u32 s26, $0x1;
	_ =	strace $0x80000046;
	[dreg:$0x1] =	wrdreg $0xFFFFFFFF  }
0xad: {  	s28 =	simm.s32 $_size_execute0_lowered;
	s4 =	sadd.s32 s4, s6;
	[dreg:$0x0] =	wrdreg $0x0  }
0xae: {  	s6 =	sshll.u32 s28, $0x1;
	[dreg:$0x2] =	wrdreg s4  }
0xaf: {  	[dreg:$0x3] =	wrdreg s6  }
0xb0: {  	[dreg:$0x4] =	wrdreg $0xC0  }
0xb1: {  	_ =	task [dreg:s8], $0x5FFFF  }
0xb2: {  	[dreg:$0x1] =	wrdreg $0xFFFFFFFF  }
0xb3: {  	[dreg:$0x0] =	wrdreg $0x60  }
0xb4: {  	[dreg:$0x2] =	wrdreg s17  }
0xb5: {  	[dreg:$0x3] =	wrdreg s16  }
0xb6: {  	[dreg:$0x4] =	wrdreg s24  }
0xb7: {  	[dreg:$0x5] =	wrdreg $0x90000  }
0xb8: {  	[dreg:$0x6] =	wrdreg $0x9  }
0xb9: {  	_ =	task.clear_ibuf [dreg:s8], $0x7FFFF;
	_ =	strace $0x90000046  }
0xba: {  	s29 =	simm.s32 $0x9;
	_ =	strace $0x80000048  }
0xbb: {  	_ =	swait.ge [sflag:s29], $0x1  }
0xbc: {  	[sflag:s29] =	ssyncadd.s32 $0xFFFFFFFF  }
0xbd: {  	_ =	strace $0x90000048  }
0xbe: {  	_ =	sfence  }
0xbf: {  	s30 =	sld [smem:$0x0];
	_ =	sdelay $0x2  }
0xc0: {  	s31 =	sshll.u32 s1, $0xD;
	s1 =	sshrl.u32 s1, $0x2  }
0xc1: {  	s3 =	sand.u32 $0x4000, s31;
	s1 =	sadd.s32 s1, s30  }
0xc2: {  	s0 =	sor.u32 s3, s0;
	s1 =	sshll.u32 s1, $0x11  }
0xc3: {  	s0 =	sor.u32 s1, s0  }
0xc4: {  	s0 =	sadd.s32 $0x8F2B, s0  }
0xc5: {  	[sflag:s0] =	ssyncadd.remote.s32 $0x1  }
0xc6: {  	_ =	sfence.sel $0xFFFF  }
0xc7: {  	[dreg:$0x0] =	wrdreg $0xFFFFFFFF;
	(pc) =	sbr.abs _section_cstart, $3  }
0xc8: {  	[dreg:$0x1] =	wrdreg $0xFFFFFFFF  }
0xc9: {  	_ =	task.clear_ibuf [dreg:s8], $0x2FFFF;
	_ =	strace $0x9FFFFFFF  }
0xca: {  	(tm) =	ssettm $0x7FFFFFFF  }
0xcb: {  	_ =	shalt  }
tec
execute0_lowered:
.L_overlay_start_1:
0x0: {  	(tag) =	ssettag $0x1  }
0x1: {  	s4 =	rddreg [dreg:$0x0]  }
0x2: {  	s6 =	rddreg [dreg:$0x1]  }
0x3: {  	s3 =	rddreg [dreg:$0x2]  }
0x4: {  	s1 =	rddreg [dreg:$0x3]  }
0x5: {  	s0 =	rddreg [dreg:$0x4]  }
0x6: {  	s2 =	simm.s32 $0x0;
	s5 =	srdreg.scid;
	s15 =	simm.s32 $0x5000  }
0x7: {  	s16 =	simm.s32 $0x1;
	s17 =	simm.s32 $0x2;
	s18 =	simm.s32 $0xF80  }
0x8: {  	s19 =	simm.s32 $0x0;
	[smem:$0x7FF] =	sst s2;
	s8 =	sand.u32 $0x1, s5  }
0x9: {  	s9 =	sadd.s32 $0x8600, s3;
	s3 =	stileid.u32;
	_ =	strace $0x80000047  }
0xa: {  	s5 =	ssub.s32 $0x2, s8;
	s25 =	sshll.u32 s3, $0xD;
	s10 =	sshll.u32 s3, $0x11  }
0xb: {  	s11 =	sshll.u32 s8, $0xC;
	s13 =	sshll.u32 s3, $0xC;
	s28 =	sshll.u32 s3, $0x6  }
0xc: {  	s31 =	sshll.u32 s8, $0x10;
	s7 =	sshrl.u32 s5, $0x1;
	s12 =	sshrl.u32 s10, $0x2  }
0xd: {  	s4 =	sadd.s32 s4, s13;
	s10 =	sadd.s32 s10, s9;
	s13 =	simm.s32 $0x1000  }
0xe: {  	s7 =	ssub.s32 s5, s7;
	s5 =	sor.u32 s11, s25;
	s26 =	sadd.s32 s12, s1  }
0xf: {  	s10 =	sadd.s32 s31, s10;
	s12 =	simm.s32 $0x3;
	s29 =	sshrl.u32 s5, $0x3  }
0x10: {  	s14 =	sshll.u32 s5, $0x4;
	s5 =	sor.u32 $0x1C03, s28;
	s7 =	smax.u32 s7, $0x1  }
0x11: {  	s11 =	sshrl.u32 s26, $0x3;
	s6 =	sadd.s32 s6, s29;
	s30 =	sadd.s32 s9, s14  }
0x12: {  	s14 =	simm.s32 $0x80;
	s8 =	sadd.s32 $0xF000, s30;
	s9 =	sadd.s32 $0xF800, s30  }
.LBB2_1:
0x13: {  	[spmem:s11], [sflag:s5] =	dma.local [hbm:s4], $0x1000  }
0x14: {  	_ =	swait.ge [sflag:s12], $0x1000  }
0x15: {  	[sflag:s12] =	ssyncset.done $0x0  }
0x16: {  	[sflag:s12] =	ssyncadd.s32 $0xFFFFF000  }
0x17: {  	[tilespmem:s2], [sflag:$0x3] =	stream.linear.gather [hbm4b:s6+s2], $0x1000, $0x38;
	[tilespmem:$0x11000] =	vst v63  }
0x18: {  	_ =	swait.ge [sflag:s12], $0x1000  }
0x19: {  	[sflag:s12] =	ssyncset.done $0x0  }
0x1a: {  	[sflag:s12] =	ssyncadd.s32 $0xFFFFF000  }
0x1b: {  	[bflag:$0x0] =	sbarrier.arrive $0xFFFF  }
0x1c: {  	[tilespmem:s13], [sflag:$0x1] =	stream.indirect.gather [spmem:s1], $0x80, s2, s14, $0xb8;
	[tilespmem:$0x11000] =	vst v63  }
0x1d: {  	_ = 	snop  }
0x1e: {  	[tilespmem:s15], [sflag:$0x2] =	stream.indirect.gather [spmem:s1], $0x80, s14, s14, $0xb8;
	[tilespmem:$0x11000] =	vst v63  }
0x1f: {  	_ =	swait.ge [sflag:s16], $0x4000  }
0x20: {  	[sflag:s16] =	ssyncset.done $0x0  }
0x21: {  	s20 =	sadd.s32 $0x0, s10;
	[sflag:s16] =	ssyncadd.s32 $0xFFFFC000  }
0x22: {  	[hbm4b:s20+s2] =	stream.linear.scatter [tilespmem:s13], [sflag:$0x3], $0x4000, $0x38;
	[tilespmem:$0x11000] =	vst v63  }
0x23: {  	_ =	swait.ge [sflag:s12], $0x4000  }
0x24: {  	[sflag:s12] =	ssyncset.done $0x0  }
0x25: {  	s21 =	simm.s32 $0x100;
	[sflag:s12] =	ssyncadd.s32 $0xFFFFC000  }
0x26: {  	[tilespmem:s13], [sflag:$0x1] =	stream.indirect.gather [spmem:s1], $0x80, s21, s14, $0xb8;
	[tilespmem:$0x11000] =	vst v63  }
0x27: {  	_ =	swait.ge [sflag:s17], $0x4000  }
0x28: {  	[sflag:s17] =	ssyncset.done $0x0  }
0x29: {  	s20 =	sadd.s32 $0x800, s20;
	[sflag:s17] =	ssyncadd.s32 $0xFFFFC000  }
0x2a: {  	[hbm4b:s20+s2] =	stream.linear.scatter [tilespmem:s15], [sflag:$0x3], $0x4000, $0x38;
	[tilespmem:$0x11000] =	vst v63  }
0x2b: {  	_ =	swait.ge [sflag:s12], $0x4000  }
0x2c: {  	s21 =	simm.s32 $0x80;
	s20 =	simm.s32 $0x1000;
	[sflag:s12] =	ssyncset.done $0x0  }
.LBB2_2:
0x2d: {  	p0 =	sne.s32 s20, $0xE000;
	[sflag:s12] =	ssyncadd.s32 $0xFFFFC000;
	s21 =	sadd.s32 $0x100, s21  }
0x2e: {  	[tilespmem:s15], [sflag:$0x2] =	stream.indirect.gather [spmem:s1], $0x80, s21, s14, $0xb8;
	[tilespmem:$0x11000] =	vst v63  }
0x2f: {  	s22 =	smov.u32 s20;
	s20 =	sadd.s32 $0x1000, s20;
	_ =	swait.ge [sflag:s16], $0x4000  }
0x30: {  	[sflag:s16] =	ssyncset.done $0x0  }
0x31: {  	s22 =	sadd.s32 s22, s10;
	[sflag:s16] =	ssyncadd.s32 $0xFFFFC000  }
0x32: {  	[hbm4b:s22+s2] =	stream.linear.scatter [tilespmem:s13], [sflag:$0x3], $0x4000, $0x38;
	[tilespmem:$0x11000] =	vst v63  }
0x33: {  	_ =	swait.ge [sflag:s12], $0x4000  }
0x34: {  	[sflag:s12] =	ssyncset.done $0x0  }
0x35: {  	s23 =	sadd.s32 $0x80, s21;
	[sflag:s12] =	ssyncadd.s32 $0xFFFFC000  }
0x36: {  	[tilespmem:s13], [sflag:$0x1] =	stream.indirect.gather [spmem:s1], $0x80, s23, s14, $0xb8;
	[tilespmem:$0x11000] =	vst v63  }
0x37: {  	_ =	swait.ge [sflag:s17], $0x4000  }
.Ltmp0:
0x38: {  	[sflag:s17] =	ssyncset.done $0x0;
	(pc) =	sbr.rel @p0 .LBB2_2-.Ltmp0, $4  }
0x39: {  	s22 =	sadd.s32 $0x800, s22;
	[sflag:s17] =	ssyncadd.s32 $0xFFFFC000  }
0x3a: {  	[hbm4b:s22+s2] =	stream.linear.scatter [tilespmem:s15], [sflag:$0x3], $0x4000, $0x38;
	[tilespmem:$0x11000] =	vst v63  }
0x3b: {  	_ =	swait.ge [sflag:s12], $0x4000  }
0x3c: {  	[sflag:s12] =	ssyncset.done $0x0  }
0x3d: {  	[sflag:s12] =	ssyncadd.s32 $0xFFFFC000  }
0x3e: {  	[tilespmem:s15], [sflag:$0x2] =	stream.indirect.gather [spmem:s1], $0x80, s18, s14, $0xb8;
	[tilespmem:$0x11000] =	vst v63  }
0x3f: {  	_ =	swait.ge [sflag:s16], $0x4000  }
0x40: {  	[sflag:s16] =	ssyncset.done $0x0  }
0x41: {  	[sflag:s16] =	ssyncadd.s32 $0xFFFFC000  }
0x42: {  	[hbm4b:s8+s2] =	stream.linear.scatter [tilespmem:s13], [sflag:$0x3], $0x4000, $0x38;
	[tilespmem:$0x11000] =	vst v63  }
0x43: {  	_ =	swait.ge [sflag:s12], $0x4000  }
0x44: {  	[sflag:s12] =	ssyncset.done $0x0  }
0x45: {  	[sflag:s12] =	ssyncadd.s32 $0xFFFFC000  }
0x46: {  	s19 =	sadd.s32 $0x1, s19;
	_ =	swait.ge [sflag:s17], $0x4000  }
0x47: {  	p0 =	sne.s32 s19, s7;
	[sflag:s17] =	ssyncset.done $0x0  }
.Ltmp1:
0x48: {  	[sflag:s17] =	ssyncadd.s32 $0xFFFFC000;
	(pc) =	sbr.rel @p0 .LBB2_1-.Ltmp1, $4  }
0x49: {  	[hbm4b:s9+s2] =	stream.linear.scatter [tilespmem:s15], [sflag:$0x3], $0x4000, $0x38;
	[tilespmem:$0x11000] =	vst v63  }
0x4a: {  	_ =	swait.ge [sflag:s12], $0x4000  }
0x4b: {  	[sflag:s12] =	ssyncset.done $0x0  }
0x4c: {  	[sflag:s12] =	ssyncadd.s32 $0xFFFFC000  }
0x4d: {  	_ =	sfence.sel $0x180000  }
0x4e: {  	[bflag:$0x0] =	sbarrier.arrive $0xFFFF  }
0x4f: {  	p0 =	sne.s32 s3, $0x0;
	_ =	strace $0x90000047  }
0x50: {  	s0 =	sadd.s32 @!p0 $0x100000, s0;
	[bflag:$0x2] =	sbarrier.arrive $0xFFFF  }
0x51: {  	[sflag:s0] =	ssyncadd.tile.s32 @!p0 $0x1;
	_ =	shalt  }
.Lfunc_end2:
_tile_overlayer_lowered:
.L_overlay_start_2:
0x52: {  	(tag) =	ssettag $0x2  }
0x53: {  	s0 =	rddreg [dreg:$0x0];
	s2 =	stileid.u32  }
0x54: {  	s1 =	rddreg [dreg:$0x1];
	p0 =	sne.s32 s2, $0x0  }
0x55: {  	s3 =	rddreg [dreg:$0x2];
	[bflag:$0x3] =	sbarrier.arrive $0xFFFF;
	s2 =	simm.s32 @!p0 $0x1C03  }
0x56: {  	[timem:s3], [sflag:s2] =	dma.local @!p0 [hbm:s0], s1  }
0x57: {  	s0 =	simm.s32 @!p0 $0x3  }
0x58: {  	_ =	swait.ge @!p0 [sflag:s0], s1  }
0x59: {  	s1 =	ssub.s32 @!p0 $0x0, s1;
	[sflag:s0] =	ssyncset.done @!p0 $0x0  }
0x5a: {  	[sflag:s0] =	ssyncadd.s32 @!p0 s1  }
0x5b: {  	[bflag:$0x3] =	sbarrier.arrive $0xFFFF  }
0x5c: {  	_ =	shalt  }

</sc_bundles>
